<compile_context>
chip_gen: v7x
topology: tpu7x:2x2x1
jax: 0.10.2.dev20260603
libtpu: 0.0.44.dev20260713+nightly
codegen_flags: <defaults>
</compile_context>

<pallas_src>
import jax
import jax.numpy as jnp
from jax import lax
from jax.experimental import pallas as pl
from jax.experimental.pallas import tpu as pltpu
from jax.experimental.pallas import tpu_sc as plsc

N = 100000
D = 128
W = 80
NCHUNK = N // W
NW = 32
BASE_CH = NCHUNK // NW
EXTRA = NCHUNK % NW
K = 2
SUP = (BASE_CH + 1 + K - 1) // K
IDX_MAX = (BASE_CH + 1) * W


def kernel(x, table):
    idx = x.reshape(N).astype(jnp.int32)
    mesh = plsc.VectorSubcoreMesh(core_axis_name="c", subcore_axis_name="s")

    @pl.kernel(
        out_type=jax.ShapeDtypeStruct((N, D), table.dtype),
        mesh=mesh,
        scratch_types=[
            pltpu.VMEM_SHARED((28, D), jnp.float32),
            pltpu.VMEM((IDX_MAX,), jnp.int32),
            pltpu.VMEM((K * W, D), jnp.float32),
            pltpu.VMEM((K * W, D), jnp.float32),
            pltpu.SemaphoreType.DMA,
            pltpu.SemaphoreType.DMA,
            pltpu.SemaphoreType.DMA,
            pltpu.SemaphoreType.DMA,
        ],
    )
    def gather_kernel(idx_hbm, table_hbm, out_hbm, table_sh, idx_v, buf0, buf1,
                      g0, g1, s0, s1):
        sid = lax.axis_index("s")
        wid = sid * 2 + lax.axis_index("c")

        start_chunk = BASE_CH * wid + jnp.minimum(wid, EXTRA)
        n = jnp.where(wid < EXTRA, BASE_CH + 1, BASE_CH)
        row0 = start_chunk * W

        @pl.when(sid == 0)
        def _():
            pltpu.make_async_copy(table_hbm, table_sh, g0).start()

        @pl.when(wid < EXTRA)
        def _():
            pltpu.sync_copy(idx_hbm.at[pl.ds(row0, (BASE_CH + 1) * W)],
                            idx_v.at[pl.ds(0, (BASE_CH + 1) * W)])

        @pl.when(wid >= EXTRA)
        def _():
            pltpu.sync_copy(idx_hbm.at[pl.ds(row0, BASE_CH * W)],
                            idx_v.at[pl.ds(0, BASE_CH * W)])

        @pl.when(sid == 0)
        def _():
            pltpu.make_async_copy(table_hbm, table_sh, g0).wait()

        plsc.subcore_barrier()

        def gather_desc(t, buf, b, sem):
            return pltpu.make_async_copy(
                table_sh.at[idx_v.at[pl.ds(t * W, W)]],
                buf.at[pl.ds(b * W, W)], sem)

        def store_desc(t, buf, b, sem):
            return pltpu.make_async_copy(
                buf.at[pl.ds(b * W, W)],
                out_hbm.at[pl.ds(row0 + t * W, W)], sem)

        def fire_gathers(s, buf, sem):
            for b in range(K):
                t = s * K + b

                @pl.when(t < n)
                def _():
                    gather_desc(t, buf, b, sem).start()

        def wait_gathers(s, buf, sem):
            for b in range(K):
                t = s * K + b

                @pl.when(t < n)
                def _():
                    gather_desc(t, buf, b, sem).wait()

        def super_desc(s, buf, sem):
            return pltpu.make_async_copy(
                buf, out_hbm.at[pl.ds(row0 + s * K * W, K * W)], sem)

        def fire_stores(s, buf, sem):
            @pl.when(s * K + K <= n)
            def _():
                super_desc(s, buf, sem).start()

            @pl.when(s * K + K > n)
            def _():
                for b in range(K):
                    t = s * K + b

                    @pl.when(t < n)
                    def _():
                        store_desc(t, buf, b, sem).start()

        def wait_stores(s, buf, sem):
            @pl.when(s * K + K <= n)
            def _():
                super_desc(s, buf, sem).wait()

            @pl.when(s * K + K > n)
            def _():
                for b in range(K):
                    t = s * K + b

                    @pl.when(t < n)
                    def _():
                        store_desc(t, buf, b, sem).wait()

        fire_gathers(0, buf0, g0)
        fire_gathers(1, buf1, g1)

        @pl.loop(0, SUP, step=2)
        def _(s):
            wait_gathers(s, buf0, g0)
            fire_stores(s, buf0, s0)
            wait_gathers(s + 1, buf1, g1)
            wait_stores(s, buf0, s0)
            fire_gathers(s + 2, buf0, g0)
            fire_stores(s + 1, buf1, s1)
            wait_stores(s + 1, buf1, s1)
            fire_gathers(s + 3, buf1, g1)

    return gather_kernel(idx, table)

# --- scband reference (transcript-rebuilt; emitter-appended) ---
"""Pipeline reference for scband-type-dict-node-encoder-48258252538014 (READ-ONLY COPY).

The authoritative reference and input builder live on the scoring server;
editing this copy changes nothing except your own understanding.
"""

import jax, jax.numpy as jnp
import numpy as np

N = 100000
EMB_DIM = 128
NUM_TYPES = 28

def setup_inputs(seed: int = 0) -> dict:
    key = jax.random.key(seed)
    k1, k2 = jax.random.split(key)
    x = jax.random.randint(k1, (N, 1), 0, NUM_TYPES, dtype=jnp.int64 if jax.config.jax_enable_x64 else jnp.int32)
    table = jax.random.normal(k2, (NUM_TYPES, EMB_DIM), dtype=jnp.float32)
    return {"x": x, "table": table}

def reference(x, table):
    # TypeDictNodeEncoder.forward: batch.x = self.encoder(batch.x[:, 0])
    idx = x[:, 0]
    out = jnp.take(table, idx, axis=0)
    return out

if __name__ == "__main__":
    import jax
    _d = setup_inputs()
    print(jax.jit(kernel)(*tuple(_d.values())))

</pallas_src>

<mosaic_0001>
#map = affine_map<(d0, d1) -> (0)>
#map1 = affine_map<(d0, d1) -> (0, 0)>
module attributes {stable_mosaic.version = 14 : i64} {
  func.func @gather_kernel(%arg0: i32, %arg1: i32, %arg2: memref<100000xi32, #tpu.memory_space<hbm>>, %arg3: memref<28x128xf32, #tpu.memory_space<hbm>>, %arg4: memref<100000x128xf32, #tpu.memory_space<hbm>>, %arg5: memref<28x128xf32, #tpu.memory_space<vmem_shared>>, %arg6: memref<3200xi32, #tpu.memory_space<vmem>>, %arg7: memref<160x128xf32, #tpu.memory_space<vmem>>, %arg8: memref<160x128xf32, #tpu.memory_space<vmem>>, %arg9: memref<!tpu.dma_semaphore, #tpu.memory_space<semaphore_mem>>, %arg10: memref<!tpu.dma_semaphore, #tpu.memory_space<semaphore_mem>>, %arg11: memref<!tpu.dma_semaphore, #tpu.memory_space<semaphore_mem>>, %arg12: memref<!tpu.dma_semaphore, #tpu.memory_space<semaphore_mem>>) attributes {dimension_semantics = [#tpu.dimension_semantics<core_parallel>, #tpu.dimension_semantics<subcore_parallel>], iteration_bounds = array<i64: 2, 16>, scalar_prefetch = 0 : i64, scratch_operands = 8 : i64, tpu.core_type = #tpu.core_type<sc_vector_subcore>, window_params = [{transform_indices = #map}, {transform_indices = #map1}, {transform_indices = #map1}]} {
    %mul3A = arith.constant 2 : i32
    %mul3A_0 = arith.muli %arg1, %mul3A : i32
    %add3A = arith.addi %mul3A_0, %arg0 : i32
    %mul3A_1 = arith.constant 39 : i32
    %mul3A_2 = arith.muli %mul3A_1, %add3A : i32
    %min3A = arith.constant 2 : i32
    %min3A_3 = arith.minsi %add3A, %min3A : i32
    %add3A_4 = arith.addi %mul3A_2, %min3A_3 : i32
    %lt3A = arith.constant 2 : i32
    %lt3A_5 = arith.cmpi slt, %add3A, %lt3A : i32
    %jit3A = arith.constant 40 : i32
    %jit3A_6 = arith.constant 39 : i32
    %select_n3A = arith.select %lt3A_5, %jit3A, %jit3A_6 : i32
    %mul3A_7 = arith.constant 80 : i32
    %mul3A_8 = arith.muli %add3A_4, %mul3A_7 : i32
    %eq3A = arith.constant 0 : i32
    %eq3A_9 = arith.cmpi eq, %arg1, %eq3A : i32
    %convert_element_type3A = arith.extui %eq3A_9 : i1 to i32
    %cond3A = arith.constant 0 : i32
    %cond3A_10 = arith.cmpi ne, %convert_element_type3A, %cond3A : i32
    scf.if %cond3A_10 {
      tpu.enqueue_dma source(%arg3 : memref<28x128xf32, #tpu.memory_space<hbm>>) target(%arg5 : memref<28x128xf32, #tpu.memory_space<vmem_shared>>) target_semaphore(%arg9 : memref<!tpu.dma_semaphore, #tpu.memory_space<semaphore_mem>>)
    } else {
    }
    %lt3A_11 = arith.constant 2 : i32
    %lt3A_12 = arith.cmpi slt, %add3A, %lt3A_11 : i32
    %convert_element_type3A_13 = arith.extui %lt3A_12 : i1 to i32
    %cond3A_14 = arith.constant 0 : i32
    %cond3A_15 = arith.cmpi ne, %convert_element_type3A_13, %cond3A_14 : i32
    scf.if %cond3A_15 {
      "tpu.region"() ({
        %run_scoped3A = tpu.sem_alloc : memref<!tpu.dma_semaphore, #tpu.memory_space<semaphore_mem>>
        %dma_start3A = arith.constant 0 : i32
        %dma_start3A_48 = tpu.memref_slice %arg6[%dma_start3A] : memref<3200xi32, #tpu.memory_space<vmem>> -> memref<3200xi32, #tpu.memory_space<vmem>>
        %dma_start3A_49 = tpu.memref_slice %arg2[%mul3A_8] : memref<100000xi32, #tpu.memory_space<hbm>> -> memref<3200xi32, #tpu.memory_space<hbm>>
        %dma_start3A_50 = arith.constant 0 : i32
        %dma_start3A_51 = tpu.memref_slice %arg6[%dma_start3A_50] : memref<3200xi32, #tpu.memory_space<vmem>> -> memref<3200xi32, #tpu.memory_space<vmem>>
        %dma_start3A_52 = tpu.memref_slice %arg2[%mul3A_8] : memref<100000xi32, #tpu.memory_space<hbm>> -> memref<3200xi32, #tpu.memory_space<hbm>>
        tpu.enqueue_dma source(%dma_start3A_52 : memref<3200xi32, #tpu.memory_space<hbm>>) target(%dma_start3A_51 : memref<3200xi32, #tpu.memory_space<vmem>>) target_semaphore(%run_scoped3A : memref<!tpu.dma_semaphore, #tpu.memory_space<semaphore_mem>>)
        %dma_wait3A = arith.constant 0 : i32
        %dma_wait3A_53 = tpu.memref_slice %arg6[%dma_wait3A] : memref<3200xi32, #tpu.memory_space<vmem>> -> memref<3200xi32, #tpu.memory_space<vmem>>
        %dma_wait3A_54 = tpu.memref_slice %arg2[%mul3A_8] : memref<100000xi32, #tpu.memory_space<hbm>> -> memref<3200xi32, #tpu.memory_space<hbm>>
        %dma_wait3A_55 = arith.constant 0 : i32
        %dma_wait3A_56 = tpu.memref_slice %arg6[%dma_wait3A_55] : memref<3200xi32, #tpu.memory_space<vmem>> -> memref<3200xi32, #tpu.memory_space<vmem>>
        %dma_wait3A_57 = tpu.memref_slice %arg2[%mul3A_8] : memref<100000xi32, #tpu.memory_space<hbm>> -> memref<3200xi32, #tpu.memory_space<hbm>>
        tpu.wait_dma2 semaphore(%run_scoped3A : memref<!tpu.dma_semaphore, #tpu.memory_space<semaphore_mem>>) src(%dma_wait3A_57 : memref<3200xi32, #tpu.memory_space<hbm>>) dst(%dma_wait3A_56 : memref<3200xi32, #tpu.memory_space<vmem>>)
        tpu.yield
      }) : () -> ()
    } else {
    }
    %ge3A = arith.constant 2 : i32
    %ge3A_16 = arith.cmpi sge, %add3A, %ge3A : i32
    %convert_element_type3A_17 = arith.extui %ge3A_16 : i1 to i32
    %cond3A_18 = arith.constant 0 : i32
    %cond3A_19 = arith.cmpi ne, %convert_element_type3A_17, %cond3A_18 : i32
    scf.if %cond3A_19 {
      "tpu.region"() ({
        %run_scoped3A = tpu.sem_alloc : memref<!tpu.dma_semaphore, #tpu.memory_space<semaphore_mem>>
        %dma_start3A = arith.constant 0 : i32
        %dma_start3A_48 = tpu.memref_slice %arg6[%dma_start3A] : memref<3200xi32, #tpu.memory_space<vmem>> -> memref<3120xi32, #tpu.memory_space<vmem>>
        %dma_start3A_49 = tpu.memref_slice %arg2[%mul3A_8] : memref<100000xi32, #tpu.memory_space<hbm>> -> memref<3120xi32, #tpu.memory_space<hbm>>
        %dma_start3A_50 = arith.constant 0 : i32
        %dma_start3A_51 = tpu.memref_slice %arg6[%dma_start3A_50] : memref<3200xi32, #tpu.memory_space<vmem>> -> memref<3120xi32, #tpu.memory_space<vmem>>
        %dma_start3A_52 = tpu.memref_slice %arg2[%mul3A_8] : memref<100000xi32, #tpu.memory_space<hbm>> -> memref<3120xi32, #tpu.memory_space<hbm>>
        tpu.enqueue_dma source(%dma_start3A_52 : memref<3120xi32, #tpu.memory_space<hbm>>) target(%dma_start3A_51 : memref<3120xi32, #tpu.memory_space<vmem>>) target_semaphore(%run_scoped3A : memref<!tpu.dma_semaphore, #tpu.memory_space<semaphore_mem>>)
        %dma_wait3A = arith.constant 0 : i32
        %dma_wait3A_53 = tpu.memref_slice %arg6[%dma_wait3A] : memref<3200xi32, #tpu.memory_space<vmem>> -> memref<3120xi32, #tpu.memory_space<vmem>>
        %dma_wait3A_54 = tpu.memref_slice %arg2[%mul3A_8] : memref<100000xi32, #tpu.memory_space<hbm>> -> memref<3120xi32, #tpu.memory_space<hbm>>
        %dma_wait3A_55 = arith.constant 0 : i32
        %dma_wait3A_56 = tpu.memref_slice %arg6[%dma_wait3A_55] : memref<3200xi32, #tpu.memory_space<vmem>> -> memref<3120xi32, #tpu.memory_space<vmem>>
        %dma_wait3A_57 = tpu.memref_slice %arg2[%mul3A_8] : memref<100000xi32, #tpu.memory_space<hbm>> -> memref<3120xi32, #tpu.memory_space<hbm>>
        tpu.wait_dma2 semaphore(%run_scoped3A : memref<!tpu.dma_semaphore, #tpu.memory_space<semaphore_mem>>) src(%dma_wait3A_57 : memref<3120xi32, #tpu.memory_space<hbm>>) dst(%dma_wait3A_56 : memref<3120xi32, #tpu.memory_space<vmem>>)
        tpu.yield
      }) : () -> ()
    } else {
    }
    %eq3A_20 = arith.constant 0 : i32
    %eq3A_21 = arith.cmpi eq, %arg1, %eq3A_20 : i32
    %convert_element_type3A_22 = arith.extui %eq3A_21 : i1 to i32
    %cond3A_23 = arith.constant 0 : i32
    %cond3A_24 = arith.cmpi ne, %convert_element_type3A_22, %cond3A_23 : i32
    scf.if %cond3A_24 {
      tpu.wait_dma2 semaphore(%arg9 : memref<!tpu.dma_semaphore, #tpu.memory_space<semaphore_mem>>) src(%arg3 : memref<28x128xf32, #tpu.memory_space<hbm>>) dst(%arg5 : memref<28x128xf32, #tpu.memory_space<vmem_shared>>)
    } else {
    }
    %barrier3A = arith.constant 0 : index
    tpu.barrier barrier_id(%barrier3A)
    %gt3A = arith.constant 0 : i32
    %gt3A_25 = arith.cmpi sgt, %select_n3A, %gt3A : i32
    %convert_element_type3A_26 = arith.extui %gt3A_25 : i1 to i32
    %cond3A_27 = arith.constant 0 : i32
    %cond3A_28 = arith.cmpi ne, %convert_element_type3A_26, %cond3A_27 : i32
    scf.if %cond3A_28 {
      %dma_start3A = arith.constant 0 : i32
      %dma_start3A_48 = arith.constant 0 : i32
      %dma_start3A_49 = tpu.memref_slice %arg7[%dma_start3A, %dma_start3A_48] : memref<160x128xf32, #tpu.memory_space<vmem>> -> memref<80x128xf32, #tpu.memory_space<vmem>>
      %dma_start3A_50 = arith.constant 0 : i32
      %dma_start3A_51 = tpu.memref_slice %arg6[%dma_start3A_50] : memref<3200xi32, #tpu.memory_space<vmem>> -> memref<80xi32, #tpu.memory_space<vmem>>
      %dma_start3A_52 = arith.constant 0 : i32
      %dma_start3A_53 = arith.constant 0 : i32
      %dma_start3A_54 = tpu.memref_slice %arg5[%dma_start3A_52, %dma_start3A_53] : memref<28x128xf32, #tpu.memory_space<vmem_shared>> -> memref<28x128xf32, #tpu.memory_space<vmem_shared>>
      tpu.enqueue_indirect_dma source(%dma_start3A_54 : memref<28x128xf32, #tpu.memory_space<vmem_shared>>) target(%dma_start3A_49 : memref<80x128xf32, #tpu.memory_space<vmem>>) offsets(%dma_start3A_51 : memref<80xi32, #tpu.memory_space<vmem>>) semaphore(%arg9 : memref<!tpu.dma_semaphore, #tpu.memory_space<semaphore_mem>>)
    } else {
    }
    %gt3A_29 = arith.constant 1 : i32
    %gt3A_30 = arith.cmpi sgt, %select_n3A, %gt3A_29 : i32
    %convert_element_type3A_31 = arith.extui %gt3A_30 : i1 to i32
    %cond3A_32 = arith.constant 0 : i32
    %cond3A_33 = arith.cmpi ne, %convert_element_type3A_31, %cond3A_32 : i32
    scf.if %cond3A_33 {
      %dma_start3A = arith.constant 80 : i32
      %dma_start3A_48 = arith.constant 0 : i32
      %dma_start3A_49 = tpu.memref_slice %arg7[%dma_start3A, %dma_start3A_48] : memref<160x128xf32, #tpu.memory_space<vmem>> -> memref<80x128xf32, #tpu.memory_space<vmem>>
      %dma_start3A_50 = arith.constant 80 : i32
      %dma_start3A_51 = tpu.memref_slice %arg6[%dma_start3A_50] : memref<3200xi32, #tpu.memory_space<vmem>> -> memref<80xi32, #tpu.memory_space<vmem>>
      %dma_start3A_52 = arith.constant 0 : i32
      %dma_start3A_53 = arith.constant 0 : i32
      %dma_start3A_54 = tpu.memref_slice %arg5[%dma_start3A_52, %dma_start3A_53] : memref<28x128xf32, #tpu.memory_space<vmem_shared>> -> memref<28x128xf32, #tpu.memory_space<vmem_shared>>
      tpu.enqueue_indirect_dma source(%dma_start3A_54 : memref<28x128xf32, #tpu.memory_space<vmem_shared>>) target(%dma_start3A_49 : memref<80x128xf32, #tpu.memory_space<vmem>>) offsets(%dma_start3A_51 : memref<80xi32, #tpu.memory_space<vmem>>) semaphore(%arg9 : memref<!tpu.dma_semaphore, #tpu.memory_space<semaphore_mem>>)
    } else {
    }
    %gt3A_34 = arith.constant 2 : i32
    %gt3A_35 = arith.cmpi sgt, %select_n3A, %gt3A_34 : i32
    %convert_element_type3A_36 = arith.extui %gt3A_35 : i1 to i32
    %cond3A_37 = arith.constant 0 : i32
    %cond3A_38 = arith.cmpi ne, %convert_element_type3A_36, %cond3A_37 : i32
    scf.if %cond3A_38 {
      %dma_start3A = arith.constant 0 : i32
      %dma_start3A_48 = arith.constant 0 : i32
      %dma_start3A_49 = tpu.memref_slice %arg8[%dma_start3A, %dma_start3A_48] : memref<160x128xf32, #tpu.memory_space<vmem>> -> memref<80x128xf32, #tpu.memory_space<vmem>>
      %dma_start3A_50 = arith.constant 160 : i32
      %dma_start3A_51 = tpu.memref_slice %arg6[%dma_start3A_50] : memref<3200xi32, #tpu.memory_space<vmem>> -> memref<80xi32, #tpu.memory_space<vmem>>
      %dma_start3A_52 = arith.constant 0 : i32
      %dma_start3A_53 = arith.constant 0 : i32
      %dma_start3A_54 = tpu.memref_slice %arg5[%dma_start3A_52, %dma_start3A_53] : memref<28x128xf32, #tpu.memory_space<vmem_shared>> -> memref<28x128xf32, #tpu.memory_space<vmem_shared>>
      tpu.enqueue_indirect_dma source(%dma_start3A_54 : memref<28x128xf32, #tpu.memory_space<vmem_shared>>) target(%dma_start3A_49 : memref<80x128xf32, #tpu.memory_space<vmem>>) offsets(%dma_start3A_51 : memref<80xi32, #tpu.memory_space<vmem>>) semaphore(%arg10 : memref<!tpu.dma_semaphore, #tpu.memory_space<semaphore_mem>>)
    } else {
    }
    %gt3A_39 = arith.constant 3 : i32
    %gt3A_40 = arith.cmpi sgt, %select_n3A, %gt3A_39 : i32
    %convert_element_type3A_41 = arith.extui %gt3A_40 : i1 to i32
    %cond3A_42 = arith.constant 0 : i32
    %cond3A_43 = arith.cmpi ne, %convert_element_type3A_41, %cond3A_42 : i32
    scf.if %cond3A_43 {
      %dma_start3A = arith.constant 80 : i32
      %dma_start3A_48 = arith.constant 0 : i32
      %dma_start3A_49 = tpu.memref_slice %arg8[%dma_start3A, %dma_start3A_48] : memref<160x128xf32, #tpu.memory_space<vmem>> -> memref<80x128xf32, #tpu.memory_space<vmem>>
      %dma_start3A_50 = arith.constant 240 : i32
      %dma_start3A_51 = tpu.memref_slice %arg6[%dma_start3A_50] : memref<3200xi32, #tpu.memory_space<vmem>> -> memref<80xi32, #tpu.memory_space<vmem>>
      %dma_start3A_52 = arith.constant 0 : i32
      %dma_start3A_53 = arith.constant 0 : i32
      %dma_start3A_54 = tpu.memref_slice %arg5[%dma_start3A_52, %dma_start3A_53] : memref<28x128xf32, #tpu.memory_space<vmem_shared>> -> memref<28x128xf32, #tpu.memory_space<vmem_shared>>
      tpu.enqueue_indirect_dma source(%dma_start3A_54 : memref<28x128xf32, #tpu.memory_space<vmem_shared>>) target(%dma_start3A_49 : memref<80x128xf32, #tpu.memory_space<vmem>>) offsets(%dma_start3A_51 : memref<80xi32, #tpu.memory_space<vmem>>) semaphore(%arg10 : memref<!tpu.dma_semaphore, #tpu.memory_space<semaphore_mem>>)
    } else {
    }
    %scan3A = arith.constant 0 : i32
    %scan3A_44 = arith.constant 10 : i32
    %scan3A_45 = arith.addi %scan3A, %scan3A_44 : i32
    %scan3A_46 = arith.constant 1 : i32
    scf.for %scan3A_48 = %scan3A to %scan3A_45 step %scan3A_46  : i32 {
      %mul3A_49 = arith.constant 2 : i32
      %mul3A_50 = arith.muli %scan3A_48, %mul3A_49 : i32
      %add3A_51 = arith.constant 0 : i32
      %add3A_52 = arith.addi %add3A_51, %mul3A_50 : i32
      %mul3A_53 = arith.constant 2 : i32
      %mul3A_54 = arith.muli %add3A_52, %mul3A_53 : i32
      %add3A_55 = arith.constant 0 : i32
      %add3A_56 = arith.addi %mul3A_54, %add3A_55 : i32
      %lt3A_57 = arith.cmpi slt, %add3A_56, %select_n3A : i32
      %convert_element_type3A_58 = arith.extui %lt3A_57 : i1 to i32
      %cond3A_59 = arith.constant 0 : i32
      %cond3A_60 = arith.cmpi ne, %convert_element_type3A_58, %cond3A_59 : i32
      scf.if %cond3A_60 {
        %mul3A_190 = arith.constant 80 : i32
        %mul3A_191 = arith.muli %add3A_56, %mul3A_190 : i32
        %dma_wait3A = arith.constant 0 : i32
        %dma_wait3A_192 = arith.constant 0 : i32
        %dma_wait3A_193 = tpu.memref_slice %arg7[%dma_wait3A, %dma_wait3A_192] : memref<160x128xf32, #tpu.memory_space<vmem>> -> memref<80x128xf32, #tpu.memory_space<vmem>>
        %dma_wait3A_194 = tpu.memref_slice %arg6[%mul3A_191] : memref<3200xi32, #tpu.memory_space<vmem>> -> memref<80xi32, #tpu.memory_space<vmem>>
        %dma_wait3A_195 = arith.constant 0 : i32
        %dma_wait3A_196 = arith.constant 0 : i32
        %dma_wait3A_197 = tpu.memref_slice %arg5[%dma_wait3A_195, %dma_wait3A_196] : memref<28x128xf32, #tpu.memory_space<vmem_shared>> -> memref<28x128xf32, #tpu.memory_space<vmem_shared>>
        tpu.wait_indirect_dma semaphore(%arg9 : memref<!tpu.dma_semaphore, #tpu.memory_space<semaphore_mem>>) src(%dma_wait3A_197 : memref<28x128xf32, #tpu.memory_space<vmem_shared>>) dst(%dma_wait3A_193 : memref<80x128xf32, #tpu.memory_space<vmem>>)
      } else {
      }
      %mul3A_61 = arith.constant 2 : i32
      %mul3A_62 = arith.muli %add3A_52, %mul3A_61 : i32
      %add3A_63 = arith.constant 1 : i32
      %add3A_64 = arith.addi %mul3A_62, %add3A_63 : i32
      %lt3A_65 = arith.cmpi slt, %add3A_64, %select_n3A : i32
      %convert_element_type3A_66 = arith.extui %lt3A_65 : i1 to i32
      %cond3A_67 = arith.constant 0 : i32
      %cond3A_68 = arith.cmpi ne, %convert_element_type3A_66, %cond3A_67 : i32
      scf.if %cond3A_68 {
        %mul3A_190 = arith.constant 80 : i32
        %mul3A_191 = arith.muli %add3A_64, %mul3A_190 : i32
        %dma_wait3A = arith.constant 80 : i32
        %dma_wait3A_192 = arith.constant 0 : i32
        %dma_wait3A_193 = tpu.memref_slice %arg7[%dma_wait3A, %dma_wait3A_192] : memref<160x128xf32, #tpu.memory_space<vmem>> -> memref<80x128xf32, #tpu.memory_space<vmem>>
        %dma_wait3A_194 = tpu.memref_slice %arg6[%mul3A_191] : memref<3200xi32, #tpu.memory_space<vmem>> -> memref<80xi32, #tpu.memory_space<vmem>>
        %dma_wait3A_195 = arith.constant 0 : i32
        %dma_wait3A_196 = arith.constant 0 : i32
        %dma_wait3A_197 = tpu.memref_slice %arg5[%dma_wait3A_195, %dma_wait3A_196] : memref<28x128xf32, #tpu.memory_space<vmem_shared>> -> memref<28x128xf32, #tpu.memory_space<vmem_shared>>
        tpu.wait_indirect_dma semaphore(%arg9 : memref<!tpu.dma_semaphore, #tpu.memory_space<semaphore_mem>>) src(%dma_wait3A_197 : memref<28x128xf32, #tpu.memory_space<vmem_shared>>) dst(%dma_wait3A_193 : memref<80x128xf32, #tpu.memory_space<vmem>>)
      } else {
      }
      %mul3A_69 = arith.constant 2 : i32
      %mul3A_70 = arith.muli %add3A_52, %mul3A_69 : i32
      %add3A_71 = arith.constant 2 : i32
      %add3A_72 = arith.addi %mul3A_70, %add3A_71 : i32
      %le3A = arith.cmpi sle, %add3A_72, %select_n3A : i32
      %convert_element_type3A_73 = arith.extui %le3A : i1 to i32
      %cond3A_74 = arith.constant 0 : i32
      %cond3A_75 = arith.cmpi ne, %convert_element_type3A_73, %cond3A_74 : i32
      scf.if %cond3A_75 {
        %mul3A_190 = arith.constant 2 : i32
        %mul3A_191 = arith.muli %add3A_52, %mul3A_190 : i32
        %mul3A_192 = arith.constant 80 : i32
        %mul3A_193 = arith.muli %mul3A_191, %mul3A_192 : i32
        %add3A_194 = arith.addi %mul3A_8, %mul3A_193 : i32
        %dma_start3A = arith.constant 0 : i32
        %dma_start3A_195 = tpu.memref_slice %arg4[%add3A_194, %dma_start3A] : memref<100000x128xf32, #tpu.memory_space<hbm>> -> memref<160x128xf32, #tpu.memory_space<hbm>>
        %dma_start3A_196 = arith.constant 0 : i32
        %dma_start3A_197 = tpu.memref_slice %arg4[%add3A_194, %dma_start3A_196] : memref<100000x128xf32, #tpu.memory_space<hbm>> -> memref<160x128xf32, #tpu.memory_space<hbm>>
        tpu.enqueue_dma source(%arg7 : memref<160x128xf32, #tpu.memory_space<vmem>>) target(%dma_start3A_197 : memref<160x128xf32, #tpu.memory_space<hbm>>) target_semaphore(%arg11 : memref<!tpu.dma_semaphore, #tpu.memory_space<semaphore_mem>>)
      } else {
      }
      %mul3A_76 = arith.constant 2 : i32
      %mul3A_77 = arith.muli %add3A_52, %mul3A_76 : i32
      %add3A_78 = arith.constant 2 : i32
      %add3A_79 = arith.addi %mul3A_77, %add3A_78 : i32
      %gt3A_80 = arith.cmpi sgt, %add3A_79, %select_n3A : i32
      %convert_element_type3A_81 = arith.extui %gt3A_80 : i1 to i32
      %cond3A_82 = arith.constant 0 : i32
      %cond3A_83 = arith.cmpi ne, %convert_element_type3A_81, %cond3A_82 : i32
      scf.if %cond3A_83 {
        %mul3A_190 = arith.constant 2 : i32
        %mul3A_191 = arith.muli %add3A_52, %mul3A_190 : i32
        %add3A_192 = arith.constant 0 : i32
        %add3A_193 = arith.addi %mul3A_191, %add3A_192 : i32
        %lt3A_194 = arith.cmpi slt, %add3A_193, %select_n3A : i32
        %convert_element_type3A_195 = arith.extui %lt3A_194 : i1 to i32
        %cond3A_196 = arith.constant 0 : i32
        %cond3A_197 = arith.cmpi ne, %convert_element_type3A_195, %cond3A_196 : i32
        scf.if %cond3A_197 {
          %mul3A_206 = arith.constant 80 : i32
          %mul3A_207 = arith.muli %add3A_193, %mul3A_206 : i32
          %add3A_208 = arith.addi %mul3A_8, %mul3A_207 : i32
          %dma_start3A = arith.constant 0 : i32
          %dma_start3A_209 = arith.constant 0 : i32
          %dma_start3A_210 = tpu.memref_slice %arg7[%dma_start3A, %dma_start3A_209] : memref<160x128xf32, #tpu.memory_space<vmem>> -> memref<80x128xf32, #tpu.memory_space<vmem>>
          %dma_start3A_211 = arith.constant 0 : i32
          %dma_start3A_212 = tpu.memref_slice %arg4[%add3A_208, %dma_start3A_211] : memref<100000x128xf32, #tpu.memory_space<hbm>> -> memref<80x128xf32, #tpu.memory_space<hbm>>
          %dma_start3A_213 = arith.constant 0 : i32
          %dma_start3A_214 = tpu.memref_slice %arg4[%add3A_208, %dma_start3A_213] : memref<100000x128xf32, #tpu.memory_space<hbm>> -> memref<80x128xf32, #tpu.memory_space<hbm>>
          %dma_start3A_215 = arith.constant 0 : i32
          %dma_start3A_216 = arith.constant 0 : i32
          %dma_start3A_217 = tpu.memref_slice %arg7[%dma_start3A_215, %dma_start3A_216] : memref<160x128xf32, #tpu.memory_space<vmem>> -> memref<80x128xf32, #tpu.memory_space<vmem>>
          tpu.enqueue_dma source(%dma_start3A_217 : memref<80x128xf32, #tpu.memory_space<vmem>>) target(%dma_start3A_214 : memref<80x128xf32, #tpu.memory_space<hbm>>) target_semaphore(%arg11 : memref<!tpu.dma_semaphore, #tpu.memory_space<semaphore_mem>>)
        } else {
        }
        %mul3A_198 = arith.constant 2 : i32
        %mul3A_199 = arith.muli %add3A_52, %mul3A_198 : i32
        %add3A_200 = arith.constant 1 : i32
        %add3A_201 = arith.addi %mul3A_199, %add3A_200 : i32
        %lt3A_202 = arith.cmpi slt, %add3A_201, %select_n3A : i32
        %convert_element_type3A_203 = arith.extui %lt3A_202 : i1 to i32
        %cond3A_204 = arith.constant 0 : i32
        %cond3A_205 = arith.cmpi ne, %convert_element_type3A_203, %cond3A_204 : i32
        scf.if %cond3A_205 {
          %mul3A_206 = arith.constant 80 : i32
          %mul3A_207 = arith.muli %add3A_201, %mul3A_206 : i32
          %add3A_208 = arith.addi %mul3A_8, %mul3A_207 : i32
          %dma_start3A = arith.constant 80 : i32
          %dma_start3A_209 = arith.constant 0 : i32
          %dma_start3A_210 = tpu.memref_slice %arg7[%dma_start3A, %dma_start3A_209] : memref<160x128xf32, #tpu.memory_space<vmem>> -> memref<80x128xf32, #tpu.memory_space<vmem>>
          %dma_start3A_211 = arith.constant 0 : i32
          %dma_start3A_212 = tpu.memref_slice %arg4[%add3A_208, %dma_start3A_211] : memref<100000x128xf32, #tpu.memory_space<hbm>> -> memref<80x128xf32, #tpu.memory_space<hbm>>
          %dma_start3A_213 = arith.constant 0 : i32
          %dma_start3A_214 = tpu.memref_slice %arg4[%add3A_208, %dma_start3A_213] : memref<100000x128xf32, #tpu.memory_space<hbm>> -> memref<80x128xf32, #tpu.memory_space<hbm>>
          %dma_start3A_215 = arith.constant 80 : i32
          %dma_start3A_216 = arith.constant 0 : i32
          %dma_start3A_217 = tpu.memref_slice %arg7[%dma_start3A_215, %dma_start3A_216] : memref<160x128xf32, #tpu.memory_space<vmem>> -> memref<80x128xf32, #tpu.memory_space<vmem>>
          tpu.enqueue_dma source(%dma_start3A_217 : memref<80x128xf32, #tpu.memory_space<vmem>>) target(%dma_start3A_214 : memref<80x128xf32, #tpu.memory_space<hbm>>) target_semaphore(%arg11 : memref<!tpu.dma_semaphore, #tpu.memory_space<semaphore_mem>>)
        } else {
        }
      } else {
      }
      %add3A_84 = arith.constant 1 : i32
      %add3A_85 = arith.addi %add3A_52, %add3A_84 : i32
      %mul3A_86 = arith.constant 2 : i32
      %mul3A_87 = arith.muli %add3A_85, %mul3A_86 : i32
      %add3A_88 = arith.constant 0 : i32
      %add3A_89 = arith.addi %mul3A_87, %add3A_88 : i32
      %lt3A_90 = arith.cmpi slt, %add3A_89, %select_n3A : i32
      %convert_element_type3A_91 = arith.extui %lt3A_90 : i1 to i32
      %cond3A_92 = arith.constant 0 : i32
      %cond3A_93 = arith.cmpi ne, %convert_element_type3A_91, %cond3A_92 : i32
      scf.if %cond3A_93 {
        %mul3A_190 = arith.constant 80 : i32
        %mul3A_191 = arith.muli %add3A_89, %mul3A_190 : i32
        %dma_wait3A = arith.constant 0 : i32
        %dma_wait3A_192 = arith.constant 0 : i32
        %dma_wait3A_193 = tpu.memref_slice %arg8[%dma_wait3A, %dma_wait3A_192] : memref<160x128xf32, #tpu.memory_space<vmem>> -> memref<80x128xf32, #tpu.memory_space<vmem>>
        %dma_wait3A_194 = tpu.memref_slice %arg6[%mul3A_191] : memref<3200xi32, #tpu.memory_space<vmem>> -> memref<80xi32, #tpu.memory_space<vmem>>
        %dma_wait3A_195 = arith.constant 0 : i32
        %dma_wait3A_196 = arith.constant 0 : i32
        %dma_wait3A_197 = tpu.memref_slice %arg5[%dma_wait3A_195, %dma_wait3A_196] : memref<28x128xf32, #tpu.memory_space<vmem_shared>> -> memref<28x128xf32, #tpu.memory_space<vmem_shared>>
        tpu.wait_indirect_dma semaphore(%arg10 : memref<!tpu.dma_semaphore, #tpu.memory_space<semaphore_mem>>) src(%dma_wait3A_197 : memref<28x128xf32, #tpu.memory_space<vmem_shared>>) dst(%dma_wait3A_193 : memref<80x128xf32, #tpu.memory_space<vmem>>)
      } else {
      }
      %mul3A_94 = arith.constant 2 : i32
      %mul3A_95 = arith.muli %add3A_85, %mul3A_94 : i32
      %add3A_96 = arith.constant 1 : i32
      %add3A_97 = arith.addi %mul3A_95, %add3A_96 : i32
      %lt3A_98 = arith.cmpi slt, %add3A_97, %select_n3A : i32
      %convert_element_type3A_99 = arith.extui %lt3A_98 : i1 to i32
      %cond3A_100 = arith.constant 0 : i32
      %cond3A_101 = arith.cmpi ne, %convert_element_type3A_99, %cond3A_100 : i32
      scf.if %cond3A_101 {
        %mul3A_190 = arith.constant 80 : i32
        %mul3A_191 = arith.muli %add3A_97, %mul3A_190 : i32
        %dma_wait3A = arith.constant 80 : i32
        %dma_wait3A_192 = arith.constant 0 : i32
        %dma_wait3A_193 = tpu.memref_slice %arg8[%dma_wait3A, %dma_wait3A_192] : memref<160x128xf32, #tpu.memory_space<vmem>> -> memref<80x128xf32, #tpu.memory_space<vmem>>
        %dma_wait3A_194 = tpu.memref_slice %arg6[%mul3A_191] : memref<3200xi32, #tpu.memory_space<vmem>> -> memref<80xi32, #tpu.memory_space<vmem>>
        %dma_wait3A_195 = arith.constant 0 : i32
        %dma_wait3A_196 = arith.constant 0 : i32
        %dma_wait3A_197 = tpu.memref_slice %arg5[%dma_wait3A_195, %dma_wait3A_196] : memref<28x128xf32, #tpu.memory_space<vmem_shared>> -> memref<28x128xf32, #tpu.memory_space<vmem_shared>>
        tpu.wait_indirect_dma semaphore(%arg10 : memref<!tpu.dma_semaphore, #tpu.memory_space<semaphore_mem>>) src(%dma_wait3A_197 : memref<28x128xf32, #tpu.memory_space<vmem_shared>>) dst(%dma_wait3A_193 : memref<80x128xf32, #tpu.memory_space<vmem>>)
      } else {
      }
      %mul3A_102 = arith.constant 2 : i32
      %mul3A_103 = arith.muli %add3A_52, %mul3A_102 : i32
      %add3A_104 = arith.constant 2 : i32
      %add3A_105 = arith.addi %mul3A_103, %add3A_104 : i32
      %le3A_106 = arith.cmpi sle, %add3A_105, %select_n3A : i32
      %convert_element_type3A_107 = arith.extui %le3A_106 : i1 to i32
      %cond3A_108 = arith.constant 0 : i32
      %cond3A_109 = arith.cmpi ne, %convert_element_type3A_107, %cond3A_108 : i32
      scf.if %cond3A_109 {
        %mul3A_190 = arith.constant 2 : i32
        %mul3A_191 = arith.muli %add3A_52, %mul3A_190 : i32
        %mul3A_192 = arith.constant 80 : i32
        %mul3A_193 = arith.muli %mul3A_191, %mul3A_192 : i32
        %add3A_194 = arith.addi %mul3A_8, %mul3A_193 : i32
        %dma_wait3A = arith.constant 0 : i32
        %dma_wait3A_195 = tpu.memref_slice %arg4[%add3A_194, %dma_wait3A] : memref<100000x128xf32, #tpu.memory_space<hbm>> -> memref<160x128xf32, #tpu.memory_space<hbm>>
        %dma_wait3A_196 = arith.constant 0 : i32
        %dma_wait3A_197 = tpu.memref_slice %arg4[%add3A_194, %dma_wait3A_196] : memref<100000x128xf32, #tpu.memory_space<hbm>> -> memref<160x128xf32, #tpu.memory_space<hbm>>
        tpu.wait_dma2 semaphore(%arg11 : memref<!tpu.dma_semaphore, #tpu.memory_space<semaphore_mem>>) src(%arg7 : memref<160x128xf32, #tpu.memory_space<vmem>>) dst(%dma_wait3A_197 : memref<160x128xf32, #tpu.memory_space<hbm>>)
      } else {
      }
      %mul3A_110 = arith.constant 2 : i32
      %mul3A_111 = arith.muli %add3A_52, %mul3A_110 : i32
      %add3A_112 = arith.constant 2 : i32
      %add3A_113 = arith.addi %mul3A_111, %add3A_112 : i32
      %gt3A_114 = arith.cmpi sgt, %add3A_113, %select_n3A : i32
      %convert_element_type3A_115 = arith.extui %gt3A_114 : i1 to i32
      %cond3A_116 = arith.constant 0 : i32
      %cond3A_117 = arith.cmpi ne, %convert_element_type3A_115, %cond3A_116 : i32
      scf.if %cond3A_117 {
        %mul3A_190 = arith.constant 2 : i32
        %mul3A_191 = arith.muli %add3A_52, %mul3A_190 : i32
        %add3A_192 = arith.constant 0 : i32
        %add3A_193 = arith.addi %mul3A_191, %add3A_192 : i32
        %lt3A_194 = arith.cmpi slt, %add3A_193, %select_n3A : i32
        %convert_element_type3A_195 = arith.extui %lt3A_194 : i1 to i32
        %cond3A_196 = arith.constant 0 : i32
        %cond3A_197 = arith.cmpi ne, %convert_element_type3A_195, %cond3A_196 : i32
        scf.if %cond3A_197 {
          %mul3A_206 = arith.constant 80 : i32
          %mul3A_207 = arith.muli %add3A_193, %mul3A_206 : i32
          %add3A_208 = arith.addi %mul3A_8, %mul3A_207 : i32
          %dma_wait3A = arith.constant 0 : i32
          %dma_wait3A_209 = arith.constant 0 : i32
          %dma_wait3A_210 = tpu.memref_slice %arg7[%dma_wait3A, %dma_wait3A_209] : memref<160x128xf32, #tpu.memory_space<vmem>> -> memref<80x128xf32, #tpu.memory_space<vmem>>
          %dma_wait3A_211 = arith.constant 0 : i32
          %dma_wait3A_212 = tpu.memref_slice %arg4[%add3A_208, %dma_wait3A_211] : memref<100000x128xf32, #tpu.memory_space<hbm>> -> memref<80x128xf32, #tpu.memory_space<hbm>>
          %dma_wait3A_213 = arith.constant 0 : i32
          %dma_wait3A_214 = tpu.memref_slice %arg4[%add3A_208, %dma_wait3A_213] : memref<100000x128xf32, #tpu.memory_space<hbm>> -> memref<80x128xf32, #tpu.memory_space<hbm>>
          %dma_wait3A_215 = arith.constant 0 : i32
          %dma_wait3A_216 = arith.constant 0 : i32
          %dma_wait3A_217 = tpu.memref_slice %arg7[%dma_wait3A_215, %dma_wait3A_216] : memref<160x128xf32, #tpu.memory_space<vmem>> -> memref<80x128xf32, #tpu.memory_space<vmem>>
          tpu.wait_dma2 semaphore(%arg11 : memref<!tpu.dma_semaphore, #tpu.memory_space<semaphore_mem>>) src(%dma_wait3A_217 : memref<80x128xf32, #tpu.memory_space<vmem>>) dst(%dma_wait3A_214 : memref<80x128xf32, #tpu.memory_space<hbm>>)
        } else {
        }
        %mul3A_198 = arith.constant 2 : i32
        %mul3A_199 = arith.muli %add3A_52, %mul3A_198 : i32
        %add3A_200 = arith.constant 1 : i32
        %add3A_201 = arith.addi %mul3A_199, %add3A_200 : i32
        %lt3A_202 = arith.cmpi slt, %add3A_201, %select_n3A : i32
        %convert_element_type3A_203 = arith.extui %lt3A_202 : i1 to i32
        %cond3A_204 = arith.constant 0 : i32
        %cond3A_205 = arith.cmpi ne, %convert_element_type3A_203, %cond3A_204 : i32
        scf.if %cond3A_205 {
          %mul3A_206 = arith.constant 80 : i32
          %mul3A_207 = arith.muli %add3A_201, %mul3A_206 : i32
          %add3A_208 = arith.addi %mul3A_8, %mul3A_207 : i32
          %dma_wait3A = arith.constant 80 : i32
          %dma_wait3A_209 = arith.constant 0 : i32
          %dma_wait3A_210 = tpu.memref_slice %arg7[%dma_wait3A, %dma_wait3A_209] : memref<160x128xf32, #tpu.memory_space<vmem>> -> memref<80x128xf32, #tpu.memory_space<vmem>>
          %dma_wait3A_211 = arith.constant 0 : i32
          %dma_wait3A_212 = tpu.memref_slice %arg4[%add3A_208, %dma_wait3A_211] : memref<100000x128xf32, #tpu.memory_space<hbm>> -> memref<80x128xf32, #tpu.memory_space<hbm>>
          %dma_wait3A_213 = arith.constant 0 : i32
          %dma_wait3A_214 = tpu.memref_slice %arg4[%add3A_208, %dma_wait3A_213] : memref<100000x128xf32, #tpu.memory_space<hbm>> -> memref<80x128xf32, #tpu.memory_space<hbm>>
          %dma_wait3A_215 = arith.constant 80 : i32
          %dma_wait3A_216 = arith.constant 0 : i32
          %dma_wait3A_217 = tpu.memref_slice %arg7[%dma_wait3A_215, %dma_wait3A_216] : memref<160x128xf32, #tpu.memory_space<vmem>> -> memref<80x128xf32, #tpu.memory_space<vmem>>
          tpu.wait_dma2 semaphore(%arg11 : memref<!tpu.dma_semaphore, #tpu.memory_space<semaphore_mem>>) src(%dma_wait3A_217 : memref<80x128xf32, #tpu.memory_space<vmem>>) dst(%dma_wait3A_214 : memref<80x128xf32, #tpu.memory_space<hbm>>)
        } else {
        }
      } else {
      }
      %add3A_118 = arith.constant 2 : i32
      %add3A_119 = arith.addi %add3A_52, %add3A_118 : i32
      %mul3A_120 = arith.constant 2 : i32
      %mul3A_121 = arith.muli %add3A_119, %mul3A_120 : i32
      %add3A_122 = arith.constant 0 : i32
      %add3A_123 = arith.addi %mul3A_121, %add3A_122 : i32
      %lt3A_124 = arith.cmpi slt, %add3A_123, %select_n3A : i32
      %convert_element_type3A_125 = arith.extui %lt3A_124 : i1 to i32
      %cond3A_126 = arith.constant 0 : i32
      %cond3A_127 = arith.cmpi ne, %convert_element_type3A_125, %cond3A_126 : i32
      scf.if %cond3A_127 {
        %mul3A_190 = arith.constant 80 : i32
        %mul3A_191 = arith.muli %add3A_123, %mul3A_190 : i32
        %dma_start3A = arith.constant 0 : i32
        %dma_start3A_192 = arith.constant 0 : i32
        %dma_start3A_193 = tpu.memref_slice %arg7[%dma_start3A, %dma_start3A_192] : memref<160x128xf32, #tpu.memory_space<vmem>> -> memref<80x128xf32, #tpu.memory_space<vmem>>
        %dma_start3A_194 = tpu.memref_slice %arg6[%mul3A_191] : memref<3200xi32, #tpu.memory_space<vmem>> -> memref<80xi32, #tpu.memory_space<vmem>>
        %dma_start3A_195 = arith.constant 0 : i32
        %dma_start3A_196 = arith.constant 0 : i32
        %dma_start3A_197 = tpu.memref_slice %arg5[%dma_start3A_195, %dma_start3A_196] : memref<28x128xf32, #tpu.memory_space<vmem_shared>> -> memref<28x128xf32, #tpu.memory_space<vmem_shared>>
        tpu.enqueue_indirect_dma source(%dma_start3A_197 : memref<28x128xf32, #tpu.memory_space<vmem_shared>>) target(%dma_start3A_193 : memref<80x128xf32, #tpu.memory_space<vmem>>) offsets(%dma_start3A_194 : memref<80xi32, #tpu.memory_space<vmem>>) semaphore(%arg9 : memref<!tpu.dma_semaphore, #tpu.memory_space<semaphore_mem>>)
      } else {
      }
      %mul3A_128 = arith.constant 2 : i32
      %mul3A_129 = arith.muli %add3A_119, %mul3A_128 : i32
      %add3A_130 = arith.constant 1 : i32
      %add3A_131 = arith.addi %mul3A_129, %add3A_130 : i32
      %lt3A_132 = arith.cmpi slt, %add3A_131, %select_n3A : i32
      %convert_element_type3A_133 = arith.extui %lt3A_132 : i1 to i32
      %cond3A_134 = arith.constant 0 : i32
      %cond3A_135 = arith.cmpi ne, %convert_element_type3A_133, %cond3A_134 : i32
      scf.if %cond3A_135 {
        %mul3A_190 = arith.constant 80 : i32
        %mul3A_191 = arith.muli %add3A_131, %mul3A_190 : i32
        %dma_start3A = arith.constant 80 : i32
        %dma_start3A_192 = arith.constant 0 : i32
        %dma_start3A_193 = tpu.memref_slice %arg7[%dma_start3A, %dma_start3A_192] : memref<160x128xf32, #tpu.memory_space<vmem>> -> memref<80x128xf32, #tpu.memory_space<vmem>>
        %dma_start3A_194 = tpu.memref_slice %arg6[%mul3A_191] : memref<3200xi32, #tpu.memory_space<vmem>> -> memref<80xi32, #tpu.memory_space<vmem>>
        %dma_start3A_195 = arith.constant 0 : i32
        %dma_start3A_196 = arith.constant 0 : i32
        %dma_start3A_197 = tpu.memref_slice %arg5[%dma_start3A_195, %dma_start3A_196] : memref<28x128xf32, #tpu.memory_space<vmem_shared>> -> memref<28x128xf32, #tpu.memory_space<vmem_shared>>
        tpu.enqueue_indirect_dma source(%dma_start3A_197 : memref<28x128xf32, #tpu.memory_space<vmem_shared>>) target(%dma_start3A_193 : memref<80x128xf32, #tpu.memory_space<vmem>>) offsets(%dma_start3A_194 : memref<80xi32, #tpu.memory_space<vmem>>) semaphore(%arg9 : memref<!tpu.dma_semaphore, #tpu.memory_space<semaphore_mem>>)
      } else {
      }
      %add3A_136 = arith.constant 1 : i32
      %add3A_137 = arith.addi %add3A_52, %add3A_136 : i32
      %mul3A_138 = arith.constant 2 : i32
      %mul3A_139 = arith.muli %add3A_137, %mul3A_138 : i32
      %add3A_140 = arith.constant 2 : i32
      %add3A_141 = arith.addi %mul3A_139, %add3A_140 : i32
      %le3A_142 = arith.cmpi sle, %add3A_141, %select_n3A : i32
      %convert_element_type3A_143 = arith.extui %le3A_142 : i1 to i32
      %cond3A_144 = arith.constant 0 : i32
      %cond3A_145 = arith.cmpi ne, %convert_element_type3A_143, %cond3A_144 : i32
      scf.if %cond3A_145 {
        %mul3A_190 = arith.constant 2 : i32
        %mul3A_191 = arith.muli %add3A_137, %mul3A_190 : i32
        %mul3A_192 = arith.constant 80 : i32
        %mul3A_193 = arith.muli %mul3A_191, %mul3A_192 : i32
        %add3A_194 = arith.addi %mul3A_8, %mul3A_193 : i32
        %dma_start3A = arith.constant 0 : i32
        %dma_start3A_195 = tpu.memref_slice %arg4[%add3A_194, %dma_start3A] : memref<100000x128xf32, #tpu.memory_space<hbm>> -> memref<160x128xf32, #tpu.memory_space<hbm>>
        %dma_start3A_196 = arith.constant 0 : i32
        %dma_start3A_197 = tpu.memref_slice %arg4[%add3A_194, %dma_start3A_196] : memref<100000x128xf32, #tpu.memory_space<hbm>> -> memref<160x128xf32, #tpu.memory_space<hbm>>
        tpu.enqueue_dma source(%arg8 : memref<160x128xf32, #tpu.memory_space<vmem>>) target(%dma_start3A_197 : memref<160x128xf32, #tpu.memory_space<hbm>>) target_semaphore(%arg12 : memref<!tpu.dma_semaphore, #tpu.memory_space<semaphore_mem>>)
      } else {
      }
      %mul3A_146 = arith.constant 2 : i32
      %mul3A_147 = arith.muli %add3A_137, %mul3A_146 : i32
      %add3A_148 = arith.constant 2 : i32
      %add3A_149 = arith.addi %mul3A_147, %add3A_148 : i32
      %gt3A_150 = arith.cmpi sgt, %add3A_149, %select_n3A : i32
      %convert_element_type3A_151 = arith.extui %gt3A_150 : i1 to i32
      %cond3A_152 = arith.constant 0 : i32
      %cond3A_153 = arith.cmpi ne, %convert_element_type3A_151, %cond3A_152 : i32
      scf.if %cond3A_153 {
        %mul3A_190 = arith.constant 2 : i32
        %mul3A_191 = arith.muli %add3A_137, %mul3A_190 : i32
        %add3A_192 = arith.constant 0 : i32
        %add3A_193 = arith.addi %mul3A_191, %add3A_192 : i32
        %lt3A_194 = arith.cmpi slt, %add3A_193, %select_n3A : i32
        %convert_element_type3A_195 = arith.extui %lt3A_194 : i1 to i32
        %cond3A_196 = arith.constant 0 : i32
        %cond3A_197 = arith.cmpi ne, %convert_element_type3A_195, %cond3A_196 : i32
        scf.if %cond3A_197 {
          %mul3A_206 = arith.constant 80 : i32
          %mul3A_207 = arith.muli %add3A_193, %mul3A_206 : i32
          %add3A_208 = arith.addi %mul3A_8, %mul3A_207 : i32
          %dma_start3A = arith.constant 0 : i32
          %dma_start3A_209 = arith.constant 0 : i32
          %dma_start3A_210 = tpu.memref_slice %arg8[%dma_start3A, %dma_start3A_209] : memref<160x128xf32, #tpu.memory_space<vmem>> -> memref<80x128xf32, #tpu.memory_space<vmem>>
          %dma_start3A_211 = arith.constant 0 : i32
          %dma_start3A_212 = tpu.memref_slice %arg4[%add3A_208, %dma_start3A_211] : memref<100000x128xf32, #tpu.memory_space<hbm>> -> memref<80x128xf32, #tpu.memory_space<hbm>>
          %dma_start3A_213 = arith.constant 0 : i32
          %dma_start3A_214 = tpu.memref_slice %arg4[%add3A_208, %dma_start3A_213] : memref<100000x128xf32, #tpu.memory_space<hbm>> -> memref<80x128xf32, #tpu.memory_space<hbm>>
          %dma_start3A_215 = arith.constant 0 : i32
          %dma_start3A_216 = arith.constant 0 : i32
          %dma_start3A_217 = tpu.memref_slice %arg8[%dma_start3A_215, %dma_start3A_216] : memref<160x128xf32, #tpu.memory_space<vmem>> -> memref<80x128xf32, #tpu.memory_space<vmem>>
          tpu.enqueue_dma source(%dma_start3A_217 : memref<80x128xf32, #tpu.memory_space<vmem>>) target(%dma_start3A_214 : memref<80x128xf32, #tpu.memory_space<hbm>>) target_semaphore(%arg12 : memref<!tpu.dma_semaphore, #tpu.memory_space<semaphore_mem>>)
        } else {
        }
        %mul3A_198 = arith.constant 2 : i32
        %mul3A_199 = arith.muli %add3A_137, %mul3A_198 : i32
        %add3A_200 = arith.constant 1 : i32
        %add3A_201 = arith.addi %mul3A_199, %add3A_200 : i32
        %lt3A_202 = arith.cmpi slt, %add3A_201, %select_n3A : i32
        %convert_element_type3A_203 = arith.extui %lt3A_202 : i1 to i32
        %cond3A_204 = arith.constant 0 : i32
        %cond3A_205 = arith.cmpi ne, %convert_element_type3A_203, %cond3A_204 : i32
        scf.if %cond3A_205 {
          %mul3A_206 = arith.constant 80 : i32
          %mul3A_207 = arith.muli %add3A_201, %mul3A_206 : i32
          %add3A_208 = arith.addi %mul3A_8, %mul3A_207 : i32
          %dma_start3A = arith.constant 80 : i32
          %dma_start3A_209 = arith.constant 0 : i32
          %dma_start3A_210 = tpu.memref_slice %arg8[%dma_start3A, %dma_start3A_209] : memref<160x128xf32, #tpu.memory_space<vmem>> -> memref<80x128xf32, #tpu.memory_space<vmem>>
          %dma_start3A_211 = arith.constant 0 : i32
          %dma_start3A_212 = tpu.memref_slice %arg4[%add3A_208, %dma_start3A_211] : memref<100000x128xf32, #tpu.memory_space<hbm>> -> memref<80x128xf32, #tpu.memory_space<hbm>>
          %dma_start3A_213 = arith.constant 0 : i32
          %dma_start3A_214 = tpu.memref_slice %arg4[%add3A_208, %dma_start3A_213] : memref<100000x128xf32, #tpu.memory_space<hbm>> -> memref<80x128xf32, #tpu.memory_space<hbm>>
          %dma_start3A_215 = arith.constant 80 : i32
          %dma_start3A_216 = arith.constant 0 : i32
          %dma_start3A_217 = tpu.memref_slice %arg8[%dma_start3A_215, %dma_start3A_216] : memref<160x128xf32, #tpu.memory_space<vmem>> -> memref<80x128xf32, #tpu.memory_space<vmem>>
          tpu.enqueue_dma source(%dma_start3A_217 : memref<80x128xf32, #tpu.memory_space<vmem>>) target(%dma_start3A_214 : memref<80x128xf32, #tpu.memory_space<hbm>>) target_semaphore(%arg12 : memref<!tpu.dma_semaphore, #tpu.memory_space<semaphore_mem>>)
        } else {
        }
      } else {
      }
      %add3A_154 = arith.constant 1 : i32
      %add3A_155 = arith.addi %add3A_52, %add3A_154 : i32
      %mul3A_156 = arith.constant 2 : i32
      %mul3A_157 = arith.muli %add3A_155, %mul3A_156 : i32
      %add3A_158 = arith.constant 2 : i32
      %add3A_159 = arith.addi %mul3A_157, %add3A_158 : i32
      %le3A_160 = arith.cmpi sle, %add3A_159, %select_n3A : i32
      %convert_element_type3A_161 = arith.extui %le3A_160 : i1 to i32
      %cond3A_162 = arith.constant 0 : i32
      %cond3A_163 = arith.cmpi ne, %convert_element_type3A_161, %cond3A_162 : i32
      scf.if %cond3A_163 {
        %mul3A_190 = arith.constant 2 : i32
        %mul3A_191 = arith.muli %add3A_155, %mul3A_190 : i32
        %mul3A_192 = arith.constant 80 : i32
        %mul3A_193 = arith.muli %mul3A_191, %mul3A_192 : i32
        %add3A_194 = arith.addi %mul3A_8, %mul3A_193 : i32
        %dma_wait3A = arith.constant 0 : i32
        %dma_wait3A_195 = tpu.memref_slice %arg4[%add3A_194, %dma_wait3A] : memref<100000x128xf32, #tpu.memory_space<hbm>> -> memref<160x128xf32, #tpu.memory_space<hbm>>
        %dma_wait3A_196 = arith.constant 0 : i32
        %dma_wait3A_197 = tpu.memref_slice %arg4[%add3A_194, %dma_wait3A_196] : memref<100000x128xf32, #tpu.memory_space<hbm>> -> memref<160x128xf32, #tpu.memory_space<hbm>>
        tpu.wait_dma2 semaphore(%arg12 : memref<!tpu.dma_semaphore, #tpu.memory_space<semaphore_mem>>) src(%arg8 : memref<160x128xf32, #tpu.memory_space<vmem>>) dst(%dma_wait3A_197 : memref<160x128xf32, #tpu.memory_space<hbm>>)
      } else {
      }
      %mul3A_164 = arith.constant 2 : i32
      %mul3A_165 = arith.muli %add3A_155, %mul3A_164 : i32
      %add3A_166 = arith.constant 2 : i32
      %add3A_167 = arith.addi %mul3A_165, %add3A_166 : i32
      %gt3A_168 = arith.cmpi sgt, %add3A_167, %select_n3A : i32
      %convert_element_type3A_169 = arith.extui %gt3A_168 : i1 to i32
      %cond3A_170 = arith.constant 0 : i32
      %cond3A_171 = arith.cmpi ne, %convert_element_type3A_169, %cond3A_170 : i32
      scf.if %cond3A_171 {
        %mul3A_190 = arith.constant 2 : i32
        %mul3A_191 = arith.muli %add3A_155, %mul3A_190 : i32
        %add3A_192 = arith.constant 0 : i32
        %add3A_193 = arith.addi %mul3A_191, %add3A_192 : i32
        %lt3A_194 = arith.cmpi slt, %add3A_193, %select_n3A : i32
        %convert_element_type3A_195 = arith.extui %lt3A_194 : i1 to i32
        %cond3A_196 = arith.constant 0 : i32
        %cond3A_197 = arith.cmpi ne, %convert_element_type3A_195, %cond3A_196 : i32
        scf.if %cond3A_197 {
          %mul3A_206 = arith.constant 80 : i32
          %mul3A_207 = arith.muli %add3A_193, %mul3A_206 : i32
          %add3A_208 = arith.addi %mul3A_8, %mul3A_207 : i32
          %dma_wait3A = arith.constant 0 : i32
          %dma_wait3A_209 = arith.constant 0 : i32
          %dma_wait3A_210 = tpu.memref_slice %arg8[%dma_wait3A, %dma_wait3A_209] : memref<160x128xf32, #tpu.memory_space<vmem>> -> memref<80x128xf32, #tpu.memory_space<vmem>>
          %dma_wait3A_211 = arith.constant 0 : i32
          %dma_wait3A_212 = tpu.memref_slice %arg4[%add3A_208, %dma_wait3A_211] : memref<100000x128xf32, #tpu.memory_space<hbm>> -> memref<80x128xf32, #tpu.memory_space<hbm>>
          %dma_wait3A_213 = arith.constant 0 : i32
          %dma_wait3A_214 = tpu.memref_slice %arg4[%add3A_208, %dma_wait3A_213] : memref<100000x128xf32, #tpu.memory_space<hbm>> -> memref<80x128xf32, #tpu.memory_space<hbm>>
          %dma_wait3A_215 = arith.constant 0 : i32
          %dma_wait3A_216 = arith.constant 0 : i32
          %dma_wait3A_217 = tpu.memref_slice %arg8[%dma_wait3A_215, %dma_wait3A_216] : memref<160x128xf32, #tpu.memory_space<vmem>> -> memref<80x128xf32, #tpu.memory_space<vmem>>
          tpu.wait_dma2 semaphore(%arg12 : memref<!tpu.dma_semaphore, #tpu.memory_space<semaphore_mem>>) src(%dma_wait3A_217 : memref<80x128xf32, #tpu.memory_space<vmem>>) dst(%dma_wait3A_214 : memref<80x128xf32, #tpu.memory_space<hbm>>)
        } else {
        }
        %mul3A_198 = arith.constant 2 : i32
        %mul3A_199 = arith.muli %add3A_155, %mul3A_198 : i32
        %add3A_200 = arith.constant 1 : i32
        %add3A_201 = arith.addi %mul3A_199, %add3A_200 : i32
        %lt3A_202 = arith.cmpi slt, %add3A_201, %select_n3A : i32
        %convert_element_type3A_203 = arith.extui %lt3A_202 : i1 to i32
        %cond3A_204 = arith.constant 0 : i32
        %cond3A_205 = arith.cmpi ne, %convert_element_type3A_203, %cond3A_204 : i32
        scf.if %cond3A_205 {
          %mul3A_206 = arith.constant 80 : i32
          %mul3A_207 = arith.muli %add3A_201, %mul3A_206 : i32
          %add3A_208 = arith.addi %mul3A_8, %mul3A_207 : i32
          %dma_wait3A = arith.constant 80 : i32
          %dma_wait3A_209 = arith.constant 0 : i32
          %dma_wait3A_210 = tpu.memref_slice %arg8[%dma_wait3A, %dma_wait3A_209] : memref<160x128xf32, #tpu.memory_space<vmem>> -> memref<80x128xf32, #tpu.memory_space<vmem>>
          %dma_wait3A_211 = arith.constant 0 : i32
          %dma_wait3A_212 = tpu.memref_slice %arg4[%add3A_208, %dma_wait3A_211] : memref<100000x128xf32, #tpu.memory_space<hbm>> -> memref<80x128xf32, #tpu.memory_space<hbm>>
          %dma_wait3A_213 = arith.constant 0 : i32
          %dma_wait3A_214 = tpu.memref_slice %arg4[%add3A_208, %dma_wait3A_213] : memref<100000x128xf32, #tpu.memory_space<hbm>> -> memref<80x128xf32, #tpu.memory_space<hbm>>
          %dma_wait3A_215 = arith.constant 80 : i32
          %dma_wait3A_216 = arith.constant 0 : i32
          %dma_wait3A_217 = tpu.memref_slice %arg8[%dma_wait3A_215, %dma_wait3A_216] : memref<160x128xf32, #tpu.memory_space<vmem>> -> memref<80x128xf32, #tpu.memory_space<vmem>>
          tpu.wait_dma2 semaphore(%arg12 : memref<!tpu.dma_semaphore, #tpu.memory_space<semaphore_mem>>) src(%dma_wait3A_217 : memref<80x128xf32, #tpu.memory_space<vmem>>) dst(%dma_wait3A_214 : memref<80x128xf32, #tpu.memory_space<hbm>>)
        } else {
        }
      } else {
      }
      %add3A_172 = arith.constant 3 : i32
      %add3A_173 = arith.addi %add3A_52, %add3A_172 : i32
      %mul3A_174 = arith.constant 2 : i32
      %mul3A_175 = arith.muli %add3A_173, %mul3A_174 : i32
      %add3A_176 = arith.constant 0 : i32
      %add3A_177 = arith.addi %mul3A_175, %add3A_176 : i32
      %lt3A_178 = arith.cmpi slt, %add3A_177, %select_n3A : i32
      %convert_element_type3A_179 = arith.extui %lt3A_178 : i1 to i32
      %cond3A_180 = arith.constant 0 : i32
      %cond3A_181 = arith.cmpi ne, %convert_element_type3A_179, %cond3A_180 : i32
      scf.if %cond3A_181 {
        %mul3A_190 = arith.constant 80 : i32
        %mul3A_191 = arith.muli %add3A_177, %mul3A_190 : i32
        %dma_start3A = arith.constant 0 : i32
        %dma_start3A_192 = arith.constant 0 : i32
        %dma_start3A_193 = tpu.memref_slice %arg8[%dma_start3A, %dma_start3A_192] : memref<160x128xf32, #tpu.memory_space<vmem>> -> memref<80x128xf32, #tpu.memory_space<vmem>>
        %dma_start3A_194 = tpu.memref_slice %arg6[%mul3A_191] : memref<3200xi32, #tpu.memory_space<vmem>> -> memref<80xi32, #tpu.memory_space<vmem>>
        %dma_start3A_195 = arith.constant 0 : i32
        %dma_start3A_196 = arith.constant 0 : i32
        %dma_start3A_197 = tpu.memref_slice %arg5[%dma_start3A_195, %dma_start3A_196] : memref<28x128xf32, #tpu.memory_space<vmem_shared>> -> memref<28x128xf32, #tpu.memory_space<vmem_shared>>
        tpu.enqueue_indirect_dma source(%dma_start3A_197 : memref<28x128xf32, #tpu.memory_space<vmem_shared>>) target(%dma_start3A_193 : memref<80x128xf32, #tpu.memory_space<vmem>>) offsets(%dma_start3A_194 : memref<80xi32, #tpu.memory_space<vmem>>) semaphore(%arg10 : memref<!tpu.dma_semaphore, #tpu.memory_space<semaphore_mem>>)
      } else {
      }
      %mul3A_182 = arith.constant 2 : i32
      %mul3A_183 = arith.muli %add3A_173, %mul3A_182 : i32
      %add3A_184 = arith.constant 1 : i32
      %add3A_185 = arith.addi %mul3A_183, %add3A_184 : i32
      %lt3A_186 = arith.cmpi slt, %add3A_185, %select_n3A : i32
      %convert_element_type3A_187 = arith.extui %lt3A_186 : i1 to i32
      %cond3A_188 = arith.constant 0 : i32
      %cond3A_189 = arith.cmpi ne, %convert_element_type3A_187, %cond3A_188 : i32
      scf.if %cond3A_189 {
        %mul3A_190 = arith.constant 80 : i32
        %mul3A_191 = arith.muli %add3A_185, %mul3A_190 : i32
        %dma_start3A = arith.constant 80 : i32
        %dma_start3A_192 = arith.constant 0 : i32
        %dma_start3A_193 = tpu.memref_slice %arg8[%dma_start3A, %dma_start3A_192] : memref<160x128xf32, #tpu.memory_space<vmem>> -> memref<80x128xf32, #tpu.memory_space<vmem>>
        %dma_start3A_194 = tpu.memref_slice %arg6[%mul3A_191] : memref<3200xi32, #tpu.memory_space<vmem>> -> memref<80xi32, #tpu.memory_space<vmem>>
        %dma_start3A_195 = arith.constant 0 : i32
        %dma_start3A_196 = arith.constant 0 : i32
        %dma_start3A_197 = tpu.memref_slice %arg5[%dma_start3A_195, %dma_start3A_196] : memref<28x128xf32, #tpu.memory_space<vmem_shared>> -> memref<28x128xf32, #tpu.memory_space<vmem_shared>>
        tpu.enqueue_indirect_dma source(%dma_start3A_197 : memref<28x128xf32, #tpu.memory_space<vmem_shared>>) target(%dma_start3A_193 : memref<80x128xf32, #tpu.memory_space<vmem>>) offsets(%dma_start3A_194 : memref<80xi32, #tpu.memory_space<vmem>>) semaphore(%arg10 : memref<!tpu.dma_semaphore, #tpu.memory_space<semaphore_mem>>)
      } else {
      }
    }
    %scan3A_47 = arith.constant 10 : i32
    return
  }
}

</mosaic_0001>

<sc_bundles>
// kernel: kernel.3.cloned.1.call-start
scs
__scs_entry_jumppad:
0x0: {  	(pc) =	sbr.rel $0x88, $3  }
0x1: {  	(tag) =	ssettag $0x0;
	lr =	simm.s32 $0x1  }
0x2: {  	[smem:$0x3F9F] =	sst lr;
	_ =	strace $0xD0000000  }
0x3: {  	_ = 	snop  }
0x4: {  	_ = 	snop  }
0x5: {  	_ = 	snop  }
0x6: {  	_ = 	snop  }
0x7: {  	_ = 	snop  }
__scs_overlays_trampoline_lowered:
0x8: {  	[smem:$0x3FAE] =	sst s0  }
0x9: {  	[smem:$0x3FAF] =	sst s1  }
0xa: {  	[smem:$0x3FB0] =	sst s2  }
0xb: {  	[smem:$0x3FB1] =	sst s3  }
0xc: {  	[smem:$0x3FB2] =	sst s4  }
0xd: {  	[smem:$0x3FB3] =	sst s5  }
0xe: {  	[smem:$0x3FB4] =	sst s6  }
0xf: {  	[smem:$0x3FB5] =	sst s7  }
0x10: {  	[smem:$0x3FB6] =	sst s8  }
0x11: {  	[smem:$0x3FB7] =	sst s9;
	s0 =	simm.s32 @!p0 $0x0  }
0x12: {  	s1 =	sld [smem:$0x3F9D];
	s0 =	simm.s32 @p0 $0x1  }
0x13: {  	[smem:$0x3FB8] =	sst s0;
	s0 =	simm.s32 @!p1 $0x0  }
0x14: {  	s2 =	sld [smem:$0x3F9C];
	s0 =	simm.s32 @p1 $0x1  }
0x15: {  	[smem:$0x3FB9] =	sst s0;
	s0 =	simm.s32 @!p2 $0x0  }
0x16: {  	s3 =	sld [smem:$0x3FDB];
	s0 =	simm.s32 @p2 $0x1  }
0x17: {  	s4 =	simm.s32 $0x1BF5;
	[smem:$0x3FBB] =	sst s0  }
0x18: {  	s0 =	sld [smem:$0x3F9E];
	_ =	swait.ge [sflag:s4], $0x0  }
0x19: {  	s7 =	sld [smem:$0x3F9F]  }
0x1a: {  	s8 =	sadd.s32 $0xFFFFE003, lr  }
0x1b: {  	s9 =	sadd.s32 $0xFFFFFEF7, lr;
	s5 =	simm.s32 $0xFFFFFFFF;
	p2 =	slt.u32 s8, $0xFFFFF086  }
0x1c: {  	p1 =	slt.u32 s9, $0xF7A;
	s5 =	simm.s32 @!p2 $0x0  }
0x1d: {  	s5 =	simm.s32 @p1 $0x1;
	p0 =	seq.s32 s7, s2  }
0x1e: {  	s7 =	smul.u32 @!p0 $0xF7A, s2;
	p2 =	seq.s32 @!p0 s5, $0x0  }
0x1f: {  	s9 =	smul.u32 $0xF7A, s1;
	s8 =	simm.s32 @!p0 $0x1BF5;
	p2 =	por !p2, p0  }
0x20: {  	[sflag:s8] =	ssyncset.s32 @!p0 $0xFFFFF086;
	s6 =	sadd.s32 @!p0 s3, s7;
	s7 =	simm.s32 @!p0 $0x108  }
0x21: {  	s3 =	sadd.s32 s3, s9;
	s6 =	sadd.s32 @!p0 $0x88, s6;
	s7 =	simm.s32 @p2 $0x1082  }
0x22: {  	[simem:s7], [sflag:s8] =	dma.local @!p0 [hbm:s6], $0xF7A  }
0x23: {  	s9 =	sor.u32 $0xD0000000, s2;
	s6 =	simm.s32 $0x108;
	_ =	swait.ge @!p0 [sflag:s8], $0x0  }
0x24: {  	s3 =	sadd.s32 $0x88, s3;
	s6 =	simm.s32 @!p1 $0x1082;
	[sflag:s4] =	ssyncset.s32 $0xFFFFF086  }
0x25: {  	[simem:s6], [sflag:s4] =	dma.local [hbm:s3], $0xF7A  }
0x26: {  	[smem:$0x3F9F] =	sst s1;
	(tag) =	ssettag s2;
	_ =	strace s9  }
0x27: {  	s1 =	sld [smem:$0x3FAF]  }
0x28: {  	s2 =	sld [smem:$0x3FB0]  }
0x29: {  	s4 =	sld [smem:$0x3FB2]  }
0x2a: {  	p0 =	seq.s32 s5, $0x0;
	s5 =	sld [smem:$0x3FB3]  }
0x2b: {  	s6 =	sld [smem:$0x3FB4]  }
0x2c: {  	s7 =	sld [smem:$0x3FB5]  }
0x2d: {  	s3 =	simm.s32 $0x108;
	s8 =	sld [smem:$0x3FB6]  }
0x2e: {  	s3 =	simm.s32 @!p0 $0x1082;
	s9 =	sld [smem:$0x3FB7]  }
0x2f: {  	lr =	sadd.s32 s0, s3;
	s0 =	sld [smem:$0x3FAE]  }
0x30: {  	s3 =	sld [smem:$0x3FB1]  }
0x31: {  	[smem:$0x3FBA] =	sst s10  }
0x32: {  	s10 =	sld [smem:$0x3FB8];
	_ =	sdelay $0x3  }
0x33: {  	p0 =	seq.s32 s10, $0x1;
	s10 =	sld [smem:$0x3FBA];
	_ =	sdelay $0x3  }
0x34: {  	[smem:$0x3FBA] =	sst s10  }
0x35: {  	s10 =	sld [smem:$0x3FB9];
	_ =	sdelay $0x3  }
0x36: {  	p1 =	seq.s32 s10, $0x1;
	s10 =	sld [smem:$0x3FBA];
	_ =	sdelay $0x3  }
0x37: {  	[smem:$0x3FBA] =	sst s10  }
0x38: {  	s10 =	sld [smem:$0x3FBB]  }
0x39: {  	_ = 	snop;
	(pc) =	sbr.ind lr, $3  }
0x3a: {  	_ = 	snop  }
0x3b: {  	_ = 	snop  }
0x3c: {  	p2 =	seq.s32 s10, $0x1;
	s10 =	sld [smem:$0x3FBA]  }
0x3d: {  	_ =	shalt  }
0x3e: {  	_ =	shalt  }
0x3f: {  	_ =	shalt  }
0x40: {  	_ =	shalt  }
0x41: {  	_ =	shalt  }
0x42: {  	_ =	shalt  }
0x43: {  	_ =	shalt  }
0x44: {  	_ =	shalt  }
0x45: {  	_ =	shalt  }
0x46: {  	_ =	shalt  }
0x47: {  	_ =	shalt  }
0x48: {  	_ =	shalt  }
0x49: {  	_ =	shalt  }
0x4a: {  	_ =	shalt  }
0x4b: {  	_ =	shalt  }
0x4c: {  	_ =	shalt  }
0x4d: {  	_ =	shalt  }
0x4e: {  	_ =	shalt  }
0x4f: {  	_ =	shalt  }
0x50: {  	_ =	shalt  }
0x51: {  	_ =	shalt  }
0x52: {  	_ =	shalt  }
0x53: {  	_ =	shalt  }
0x54: {  	_ =	shalt  }
0x55: {  	_ =	shalt  }
0x56: {  	_ =	shalt  }
0x57: {  	_ =	shalt  }
0x58: {  	_ =	shalt  }
0x59: {  	_ =	shalt  }
0x5a: {  	_ =	shalt  }
0x5b: {  	_ =	shalt  }
0x5c: {  	_ =	shalt  }
0x5d: {  	_ =	shalt  }
0x5e: {  	_ =	shalt  }
0x5f: {  	_ =	shalt  }
0x60: {  	_ =	shalt  }
0x61: {  	_ =	shalt  }
0x62: {  	_ =	shalt  }
0x63: {  	_ =	shalt  }
0x64: {  	_ =	shalt  }
0x65: {  	_ =	shalt  }
0x66: {  	_ =	shalt  }
0x67: {  	_ =	shalt  }
0x68: {  	_ =	shalt  }
0x69: {  	_ =	shalt  }
0x6a: {  	_ =	shalt  }
0x6b: {  	_ =	shalt  }
0x6c: {  	_ =	shalt  }
0x6d: {  	_ =	shalt  }
0x6e: {  	_ =	shalt  }
0x6f: {  	_ =	shalt  }
0x70: {  	_ =	shalt  }
0x71: {  	_ =	shalt  }
0x72: {  	_ =	shalt  }
0x73: {  	_ =	shalt  }
0x74: {  	_ =	shalt  }
0x75: {  	_ =	shalt  }
0x76: {  	_ =	shalt  }
0x77: {  	_ =	shalt  }
0x78: {  	_ =	shalt  }
0x79: {  	_ =	shalt  }
0x7a: {  	_ =	shalt  }
0x7b: {  	_ =	shalt  }
0x7c: {  	_ =	shalt  }
0x7d: {  	_ =	shalt  }
0x7e: {  	_ =	shalt  }
0x7f: {  	_ =	shalt  }
0x80: {  	_ =	shalt  }
0x81: {  	_ =	shalt  }
0x82: {  	_ =	shalt  }
0x83: {  	_ =	shalt  }
0x84: {  	_ =	shalt  }
0x85: {  	_ =	shalt  }
0x86: {  	_ =	shalt  }
0x87: {  	_ =	shalt  }
.Lfunc_end0:
.L_simem_size_0:
called_computation_lowered:
.L_overlay_start_0:
0x88: {  	s2 =	sld [smem:$0x3FD9]  }
0x89: {  	s3 =	sld [smem:$0x3FFE];
	_ =	sdelay $0x1  }
0x8a: {  	s1 =	srdreg.scid  }
0x8b: {  	s0 =	sand.u32 $0x1, s1  }
0x8c: {  	s17 =	sshll.u32 s0, $0xA;
	s2 =	sadd.s32 s3, s2  }
0x8d: {  	s2 =	sadd.s32 s2, s17  }
0x8e: {  	[smem:$0x3FC6] =	sst s2  }
0x8f: {  	_ = 	snop  }
0x90: {  	s2 =	sld [smem:$0x3FC8]  }
0x91: {  	s18 =	sld [smem:$0x3FD0];
	(tm) =	ssettm $0x1  }
0x92: {  	s4 =	sld [smem:$0x3FFB];
	_ =	sdelay $0x3  }
0x93: {  	_ =	strace s4  }
0x94: {  	s4 =	sld [smem:$0x3FFC];
	_ =	sdelay $0x3  }
0x95: {  	_ =	strace s4  }
0x96: {  	s4 =	sld [smem:$0x3FFD];
	_ =	sdelay $0x3  }
0x97: {  	_ =	strace s4  }
0x98: {  	_ =	strace $0x8FFFFFFF  }
0x99: {  	s19 =	sld [smem:$0x3FDB];
	_ =	sdelay $0x1  }
0x9a: {  	s5 =	simm.s32 $_scs_section_size  }
0x9b: {  	s6 =	simm.s32 $_size__tile_overlayer_lowered;
	s7 =	simm.s32 $_tile_overlayer_lowered  }
0x9c: {  	s22 =	simm.s32 $0x1BFF;
	s21 =	sshll.u32 s7, $0x1;
	s4 =	sadd.s32 s5, s19  }
0x9d: {  	s8 =	simm.s32 $0x0;
	s20 =	sshll.u32 s6, $0x1;
	s6 =	sadd.s32 s21, s4  }
0x9e: {  	[timem:s8], [sflag:s22] =	dma.local [hbm:s6], s20  }
0x9f: {  	_ =	swait.ge [sflag:s22], s20  }
0xa0: {  	s5 =	ssub.s32 $0x0, s20;
	[sflag:s22] =	ssyncset.done $0x0  }
0xa1: {  	[sflag:s22] =	ssyncadd.s32 s5;
	_ =	sdelay $0x1  }
0xa2: {  	s23 =	simm.s32 $0x1B8B  }
0xa3: {  	_ =	swait.ge [sflag:s23], $0x1  }
0xa4: {  	[sflag:s23] =	ssyncset.done $0x0  }
0xa5: {  	s25 =	simm.s32 $0x1B8E;
	s24 =	sld [smem:$0x3FFE];
	[sflag:s23] =	ssyncadd.s32 $0xFFFFFFFF  }
0xa6: {  	s26 =	simm.s32 $execute0_lowered;
	[smem:$0x3FD2] =	sst s25  }
0xa7: {  	s6 =	sshll.u32 s26, $0x1;
	_ =	strace $0x80000046;
	[dreg:$0x1] =	wrdreg $0xFFFFFFFF  }
0xa8: {  	s28 =	simm.s32 $_size_execute0_lowered;
	s4 =	sadd.s32 s4, s6;
	[dreg:$0x0] =	wrdreg $0x0  }
0xa9: {  	s6 =	sshll.u32 s28, $0x1;
	[dreg:$0x2] =	wrdreg s4  }
0xaa: {  	[dreg:$0x3] =	wrdreg s6  }
0xab: {  	[dreg:$0x4] =	wrdreg $0xC0  }
0xac: {  	_ =	task [dreg:s8], $0x5FFFF  }
0xad: {  	[dreg:$0x1] =	wrdreg $0xFFFFFFFF  }
0xae: {  	[dreg:$0x0] =	wrdreg $0x60  }
0xaf: {  	[dreg:$0x2] =	wrdreg s24  }
0xb0: {  	[dreg:$0x3] =	wrdreg s2  }
0xb1: {  	[dreg:$0x4] =	wrdreg s18  }
0xb2: {  	[dreg:$0x5] =	wrdreg $0x0  }
0xb3: {  	[dreg:$0x6] =	wrdreg $0x9  }
0xb4: {  	_ =	task.clear_ibuf [dreg:s8], $0x7FFFF;
	_ =	strace $0x90000046  }
0xb5: {  	s29 =	simm.s32 $0x9;
	_ =	strace $0x80000048  }
0xb6: {  	_ =	swait.ge [sflag:s29], $0x1  }
0xb7: {  	[sflag:s29] =	ssyncadd.s32 $0xFFFFFFFF  }
0xb8: {  	_ =	strace $0x90000048  }
0xb9: {  	_ =	sfence  }
0xba: {  	s30 =	sld [smem:$0x0];
	_ =	sdelay $0x2  }
0xbb: {  	s31 =	sshll.u32 s1, $0xD;
	s1 =	sshrl.u32 s1, $0x2  }
0xbc: {  	s3 =	sand.u32 $0x4000, s31;
	s1 =	sadd.s32 s1, s30  }
0xbd: {  	s0 =	sor.u32 s3, s0;
	s1 =	sshll.u32 s1, $0x11  }
0xbe: {  	s0 =	sor.u32 s1, s0  }
0xbf: {  	s0 =	sadd.s32 $0x8F2B, s0  }
0xc0: {  	[sflag:s0] =	ssyncadd.remote.s32 $0x1  }
0xc1: {  	_ =	sfence.sel $0xFFFF  }
0xc2: {  	[dreg:$0x0] =	wrdreg $0xFFFFFFFF;
	(pc) =	sbr.abs _section_cstart, $3  }
0xc3: {  	[dreg:$0x1] =	wrdreg $0xFFFFFFFF  }
0xc4: {  	_ =	task.clear_ibuf [dreg:s8], $0x2FFFF;
	_ =	strace $0x9FFFFFFF  }
0xc5: {  	(tm) =	ssettm $0x7FFFFFFF  }
tec
execute0_lowered:
.L_overlay_start_1:
0x0: {  	(tag) =	ssettag $0x1  }
0x1: {  	s0 =	rddreg [dreg:$0x0]  }
0x2: {  	s1 =	rddreg [dreg:$0x2]  }
0x3: {  	s3 =	rddreg [dreg:$0x3]  }
0x4: {  	s2 =	srdreg.scid;
	s10 =	stileid.u32  }
0x5: {  	s4 =	simm.s32 $0x0;
	s12 =	simm.s32 $0x50;
	s17 =	simm.s32 $0x180  }
0x6: {  	s18 =	simm.s32 $0x5D60;
	s2 =	sand.u32 $0x1, s2;
	s5 =	sshll.u32 s10, $0x1  }
0x7: {  	s19 =	simm.s32 $0x1D0;
	s8 =	smul.u32 $0x4E, s10;
	s5 =	sor.u32 s2, s5  }
0x8: {  	s20 =	simm.s32 $0x8560;
	[smem:$0x7FF] =	sst s4;
	s6 =	smul.u32 $0x27, s5  }
0x9: {  	p0 =	seq.s32 s10, $0x0;
	_ =	strace $0x80000047;
	s5 =	smin.u32 s5, $0x2  }
0xa: {  	s7 =	ssub.s32 $0x2, s2;
	s2 =	smul.u32 $0x27, s2;
	s6 =	sadd.s32 s5, s6  }
0xb: {  	s11 =	sshrl.u32 @p0 s3, $0x3;
	s9 =	sshrl.u32 s7, $0x1;
	s6 =	smul.u32 $0x50, s6  }
0xc: {  	s9 =	ssub.s32 s7, s9;
	s31 =	sadd.s32 s8, s5;
	s5 =	simm.s32 $0x28  }
0xd: {  	s2 =	sadd.s32 s2, s31;
	s5 =	simm.s32 @!p0 $0x27;
	s6 =	sshrl.u32 s6, $0x3  }
0xe: {  	s2 =	smul.u32 $0x500, s2;
	s6 =	sadd.s32 s0, s6;
	s0 =	simm.s32 @!p0 $0x0  }
0xf: {  	s9 =	smax.u32 s9, $0x1;
	s7 =	sadd.s32 $0xFFFFFFFF, s5;
	s0 =	simm.s32 @p0 $0x1  }
0x10: {  	s8 =	sadd.s32 $0xFFFFFFFE, s5;
	s10 =	sadd.s32 s2, s1;
	[smem:$0x7FD] =	sst s0  }
.LBB2_1:
0x11: {  	s0 =	sld [smem:$0x7FD];
	_ =	sdelay $0x2  }
0x12: {  	p0 =	seq.s32 s0, $0x1  }
0x13: {  	s1 =	rddreg [dreg:$0x1];
	s0 =	simm.s32 @p0 $0x1C01  }
0x14: {  	[spmem:s11], [sflag:s0] =	dma.local @p0 [hbm:s1], $0x1C0  }
0x15: {  	s0 =	simm.s32 @p0 $0x0;
	s1 =	simm.s32 @p0 $0xE0  }
0x16: {  	[tilespmem:s1], [sflag:$0x5] =	stream.linear.gather @p0 [hbm4b:s6+s0], $0xC80, $0x38;
	[tilespmem:$0xAD60] =	vst v63  }
0x17: {  	s0 =	simm.s32 @p0 $0x5  }
0x18: {  	_ =	swait.ge @p0 [sflag:s0], $0xC80  }
0x19: {  	[sflag:s0] =	ssyncset.done @p0 $0x0  }
0x1a: {  	[sflag:s0] =	ssyncadd.s32 @p0 $0xFFFFF380;
	s0 =	simm.s32 @p0 $0x1  }
0x1b: {  	_ =	swait.ge @p0 [sflag:s0], $0x1C0  }
0x1c: {  	[sflag:s0] =	ssyncset.done @p0 $0x0  }
0x1d: {  	s1 =	simm.s32 @!p0 $0xE0;
	[sflag:s0] =	ssyncadd.s32 @p0 $0xFFFFFE40;
	s0 =	simm.s32 @!p0 $0x0  }
0x1e: {  	[tilespmem:s1], [sflag:$0x5] =	stream.linear.gather @!p0 [hbm4b:s6+s0], $0xC30, $0x38;
	[tilespmem:$0xAD60] =	vst v63  }
0x1f: {  	s0 =	simm.s32 @!p0 $0x5  }
0x20: {  	_ =	swait.ge @!p0 [sflag:s0], $0xC30  }
0x21: {  	[sflag:s0] =	ssyncset.done @!p0 $0x0  }
0x22: {  	[sflag:s0] =	ssyncadd.s32 @!p0 $0xFFFFF3D0  }
0x23: {  	s24 =	simm.s32 $0xE0;
	s25 =	simm.s32 $0xD60;
	[bflag:$0x0] =	sbarrier.arrive $0xFFFF  }
0x24: {  	[tilespmem:s25], [sflag:$0x1] =	stream.indirect.gather [spmem:s3], $0x80, s24, s12, $0xb8;
	[tilespmem:$0xAD60] =	vst v63  }
0x25: {  	s26 =	simm.s32 $0x130;
	s28 =	simm.s32 $0x3560  }
0x26: {  	[tilespmem:s28], [sflag:$0x1] =	stream.indirect.gather [spmem:s3], $0x80, s26, s12, $0xb8;
	[tilespmem:$0xAD60] =	vst v63  }
0x27: {  	p0 =	sle.u32 s5, $0x0  }
0x28: {  	[tilespmem:s18], [sflag:$0x2] =	stream.indirect.gather [spmem:s3], $0x80, s17, s12, $0xb8;
	[tilespmem:$0xAD60] =	vst v63  }
0x29: {  	s0 =	simm.s32 @!p0 $0x1  }
0x2a: {  	[tilespmem:s20], [sflag:$0x2] =	stream.indirect.gather [spmem:s3], $0x80, s19, s12, $0xb8;
	[tilespmem:$0xAD60] =	vst v63  }
0x2b: {  	_ =	swait.ge @!p0 [sflag:s0], $0x2800  }
0x2c: {  	p2 =	sle.u32 s7, $0x0;
	[sflag:s0] =	ssyncset.done @!p0 $0x0  }
0x2d: {  	p3 =	slt.u32 s8, $0x0;
	[sflag:s0] =	ssyncadd.s32 @!p0 $0xFFFFD800;
	s0 =	simm.s32 @!p2 $0x1  }
0x2e: {  	p0 =	sle.u32 @p3 s5, $0x0;
	_ =	swait.ge @!p2 [sflag:s0], $0x2800  }
0x2f: {  	p1 =	sle.u32 s5, $0x2;
	p0 =	por p0, !p3;
	[sflag:s0] =	ssyncset.done @!p2 $0x0  }
0x30: {  	s1 =	simm.s32 @!p0 $0xD60;
	[sflag:s0] =	ssyncadd.s32 @!p2 $0xFFFFD800;
	s0 =	simm.s32 @!p0 $0x0  }
0x31: {  	[hbm4b:s10+s0] =	stream.linear.scatter @!p0 [tilespmem:s1], [sflag:$0x3], $0x2800, $0x38;
	[tilespmem:$0xAD60] =	vst v63  }
0x32: {  	s2 =	simm.s32 @!p1 $0x2;
	s0 =	simm.s32 @!p3 $0xD60;
	s1 =	simm.s32 @!p3 $0x0  }
0x33: {  	[hbm4b:s10+s1] =	stream.linear.scatter @!p3 [tilespmem:s0], [sflag:$0x3], $0x5000, $0x38;
	[tilespmem:$0xAD60] =	vst v63  }
0x34: {  	_ =	swait.ge @!p1 [sflag:s2], $0x2800  }
0x35: {  	s22 =	simm.s32 $0x220;
	p2 =	sle.u32 s7, $0x2;
	[sflag:s2] =	ssyncset.done @!p1 $0x0  }
0x36: {  	s21 =	simm.s32 $0x4;
	s0 =	simm.s32 @!p2 $0x2;
	[sflag:s2] =	ssyncadd.s32 @!p1 $0xFFFFD800  }
0x37: {  	s30 =	simm.s32 $0x6;
	p4 =	sle.u32 s5, $0x4;
	_ =	swait.ge @!p2 [sflag:s0], $0x2800  }
0x38: {  	p6 =	sle.u32 s5, $0x5;
	s23 =	simm.s32 $0x8;
	[sflag:s0] =	ssyncset.done @!p2 $0x0  }
0x39: {  	s13 =	simm.s32 @!p4 $0xD60;
	s1 =	simm.s32 @!p0 $0x3;
	[sflag:s0] =	ssyncadd.s32 @!p2 $0xFFFFD800  }
0x3a: {  	s25 =	simm.s32 $0x8;
	s24 =	smov.u32 s10;
	_ =	swait.ge @!p0 [sflag:s1], $0x2800  }
0x3b: {  	s26 =	simm.s32 $0x220;
	p1 =	sge.u32 s8, $0x2;
	[sflag:s1] =	ssyncset.done @!p0 $0x0  }
0x3c: {  	s2 =	simm.s32 @!p6 $0x50;
	s0 =	simm.s32 @!p3 $0x3;
	[sflag:s1] =	ssyncadd.s32 @!p0 $0xFFFFD800  }
0x3d: {  	s29 =	simm.s32 @p1 $0x4;
	p2 =	sle.u32 @!p1 s5, $0x2;
	_ =	swait.ge @!p3 [sflag:s0], $0x5000  }
0x3e: {  	s31 =	simm.s32 @p1 $0x0;
	p2 =	por p2, p1;
	[sflag:s0] =	ssyncset.done @!p3 $0x0  }
0x3f: {  	s1 =	simm.s32 @!p4 $0x50;
	[sflag:s0] =	ssyncadd.s32 @!p3 $0xFFFFB000;
	s0 =	simm.s32 @p1 $0x5D60  }
0x40: {  	[tilespmem:s13], [sflag:$0x1] =	stream.indirect.gather @!p4 [spmem:s3], $0x80, s22, s1, $0xb8;
	[tilespmem:$0xAD60] =	vst v63  }
0x41: {  	s1 =	simm.s32 @!p6 $0x3560;
	s13 =	simm.s32 @!p6 $0x270;
	p4 =	sle.u32 s5, $0x7  }
.LBB2_2:
0x42: {  	p5 =	sge.u32 s30, s5;
	s28 =	smov.u32 s25;
	s25 =	sadd.s32 $0x4, s25  }
0x43: {  	[tilespmem:s1], [sflag:$0x1] =	stream.indirect.gather @!p6 [spmem:s3], $0x80, s13, s2, $0xb8;
	[tilespmem:$0xAD60] =	vst v63  }
0x44: {  	p6 =	sge.u32 s21, s5;
	s1 =	sadd.s32 @p1 $0xA00, s24;
	s2 =	simm.s32 @!p2 $0x4  }
0x45: {  	[hbm4b:s1+s31] =	stream.linear.scatter @p1 [tilespmem:s0], [sflag:$0x4], $0x5000, $0x38;
	[tilespmem:$0xAD60] =	vst v63  }
0x46: {  	s0 =	sadd.s32 @!p2 $0xA00, s24;
	s1 =	simm.s32 @!p2 $0x0;
	_ =	swait.ge @p1 [sflag:s29], $0x5000  }
0x47: {  	s22 =	sadd.s32 $0x140, s22;
	s13 =	simm.s32 @!p2 $0x5D60;
	[sflag:s29] =	ssyncset.done @p1 $0x0  }
0x48: {  	s30 =	simm.s32 @!p5 $0x50;
	[sflag:s29] =	ssyncadd.s32 @p1 $0xFFFFB000;
	s29 =	sadd.s32 @!p5 $0xA0, s26  }
0x49: {  	[hbm4b:s0+s1] =	stream.linear.scatter @!p2 [tilespmem:s13], [sflag:$0x4], $0x2800, $0x38;
	[tilespmem:$0xAD60] =	vst v63  }
0x4a: {  	s0 =	simm.s32 @!p4 $0x50;
	s1 =	simm.s32 @!p4 $0x8560;
	_ =	swait.ge @!p2 [sflag:s2], $0x2800  }
0x4b: {  	s24 =	sadd.s32 $0x1400, s24;
	s13 =	simm.s32 @!p5 $0x5D60;
	[sflag:s2] =	ssyncset.done @!p2 $0x0  }
0x4c: {  	p3 =	sgt.u32 s21, s8;
	s31 =	simm.s32 @!p6 $0x1;
	[sflag:s2] =	ssyncadd.s32 @!p2 $0xFFFFD800  }
0x4d: {  	[tilespmem:s13], [sflag:$0x2] =	stream.indirect.gather @!p5 [spmem:s3], $0x80, s29, s30, $0xb8;
	[tilespmem:$0xAD60] =	vst v63  }
0x4e: {  	p0 =	sge.u32 @p3 s21, s5;
	s2 =	sadd.s32 $0x2, s21;
	s13 =	sadd.s32 @!p4 $0xF0, s26  }
0x4f: {  	[tilespmem:s1], [sflag:$0x2] =	stream.indirect.gather @!p4 [spmem:s3], $0x80, s13, s0, $0xb8;
	[tilespmem:$0xAD60] =	vst v63  }
0x50: {  	p5 =	sne.s32 s25, $0x28;
	p2 =	sge.u32 s2, s5;
	_ =	swait.ge @!p6 [sflag:s31], $0x2800  }
0x51: {  	p1 =	sge.u32 s21, s7;
	s26 =	smov.u32 s22;
	[sflag:s31] =	ssyncset.done @!p6 $0x0  }
0x52: {  	s0 =	simm.s32 @!p1 $0x1;
	s1 =	simm.s32 @!p3 $0xD60;
	[sflag:s31] =	ssyncadd.s32 @!p6 $0xFFFFD800  }
0x53: {  	_ =	swait.ge @!p1 [sflag:s0], $0x2800  }
0x54: {  	p4 =	por p0, !p3;
	[sflag:s0] =	ssyncset.done @!p1 $0x0  }
0x55: {  	s13 =	simm.s32 @!p4 $0xD60;
	[sflag:s0] =	ssyncadd.s32 @!p1 $0xFFFFD800;
	s0 =	simm.s32 @!p4 $0x0  }
0x56: {  	[hbm4b:s24+s0] =	stream.linear.scatter @!p4 [tilespmem:s13], [sflag:$0x3], $0x2800, $0x38;
	[tilespmem:$0xAD60] =	vst v63  }
0x57: {  	p0 =	sge.u32 s2, s7;
	s0 =	simm.s32 @!p3 $0x0;
	s13 =	simm.s32 @!p2 $0x2  }
0x58: {  	[hbm4b:s24+s0] =	stream.linear.scatter @!p3 [tilespmem:s1], [sflag:$0x3], $0x5000, $0x38;
	[tilespmem:$0xAD60] =	vst v63  }
0x59: {  	s0 =	simm.s32 @!p0 $0x2;
	_ =	swait.ge @!p2 [sflag:s13], $0x2800  }
0x5a: {  	p1 =	sle.u32 s2, s8;
	[sflag:s13] =	ssyncset.done @!p2 $0x0  }
0x5b: {  	[sflag:s13] =	ssyncadd.s32 @!p2 $0xFFFFD800;
	p2 =	sge.u32 @!p1 s2, s5  }
0x5c: {  	s30 =	sadd.s32 $0x6, s21;
	s1 =	simm.s32 @!p4 $0x3;
	_ =	swait.ge @!p0 [sflag:s0], $0x2800  }
0x5d: {  	s29 =	simm.s32 @p1 $0x4;
	s13 =	simm.s32 @!p3 $0x3;
	[sflag:s0] =	ssyncset.done @!p0 $0x0  }
0x5e: {  	[sflag:s0] =	ssyncadd.s32 @!p0 $0xFFFFD800;
	p0 =	sge.u32 s23, s5;
	s0 =	sadd.s32 $0x5, s21  }
0x5f: {  	s31 =	simm.s32 @p1 $0x0;
	p2 =	por p2, p1;
	_ =	swait.ge @!p4 [sflag:s1], $0x2800  }
0x60: {  	s14 =	simm.s32 @!p0 $0x50;
	s15 =	simm.s32 @!p0 $0xD60;
	[sflag:s1] =	ssyncset.done @!p4 $0x0  }
0x61: {  	s23 =	smov.u32 s25;
	p6 =	sge.u32 s0, s5;
	[sflag:s1] =	ssyncadd.s32 @!p4 $0xFFFFD800  }
.Ltmp0:
0x62: {  	s0 =	simm.s32 @p1 $0x5D60;
	s2 =	simm.s32 @!p6 $0x50;
	(pc) =	sbr.rel @p5 .LBB2_2-.Ltmp0, $4  }
0x63: {  	s1 =	simm.s32 @!p6 $0x3560;
	_ =	swait.ge @!p3 [sflag:s13], $0x5000  }
0x64: {  	s16 =	sadd.s32 $0x7, s21;
	s21 =	smov.u32 s28;
	[sflag:s13] =	ssyncset.done @!p3 $0x0  }
0x65: {  	p4 =	sge.u32 s16, s5;
	[sflag:s13] =	ssyncadd.s32 @!p3 $0xFFFFB000;
	s13 =	sadd.s32 @!p6 $0x50, s22  }
0x66: {  	[tilespmem:s15], [sflag:$0x1] =	stream.indirect.gather @!p0 [spmem:s3], $0x80, s22, s14, $0xb8;
	[tilespmem:$0xAD60] =	vst v63  }
0x67: {  	[tilespmem:s1], [sflag:$0x1] =	stream.indirect.gather @!p6 [spmem:s3], $0x80, s13, s2, $0xb8;
	[tilespmem:$0xAD60] =	vst v63  }
0x68: {  	s1 =	sadd.s32 @p1 $0xA00, s24  }
0x69: {  	[hbm4b:s1+s31] =	stream.linear.scatter @p1 [tilespmem:s0], [sflag:$0x4], $0x5000, $0x38;
	[tilespmem:$0xAD60] =	vst v63  }
0x6a: {  	_ =	swait.ge @p1 [sflag:s29], $0x5000  }
0x6b: {  	s2 =	simm.s32 @!p2 $0x0;
	s13 =	simm.s32 @!p2 $0x5D60;
	[sflag:s29] =	ssyncset.done @p1 $0x0  }
0x6c: {  	s0 =	simm.s32 @!p2 $0x4;
	s1 =	sadd.s32 @!p2 $0xA00, s24;
	[sflag:s29] =	ssyncadd.s32 @p1 $0xFFFFB000  }
0x6d: {  	[hbm4b:s1+s2] =	stream.linear.scatter @!p2 [tilespmem:s13], [sflag:$0x4], $0x2800, $0x38;
	[tilespmem:$0xAD60] =	vst v63  }
0x6e: {  	p0 =	sge.u32 s21, s5;
	p1 =	sge.u32 s30, s5;
	_ =	swait.ge @!p2 [sflag:s0], $0x2800  }
0x6f: {  	s1 =	sadd.s32 @!p1 $0xA0, s26;
	s2 =	simm.s32 @!p1 $0x50;
	[sflag:s0] =	ssyncset.done @!p2 $0x0  }
0x70: {  	s13 =	simm.s32 @!p4 $0x50;
	s14 =	simm.s32 @!p1 $0x5D60;
	[sflag:s0] =	ssyncadd.s32 @!p2 $0xFFFFD800  }
0x71: {  	[tilespmem:s14], [sflag:$0x2] =	stream.indirect.gather @!p1 [spmem:s3], $0x80, s1, s2, $0xb8;
	[tilespmem:$0xAD60] =	vst v63  }
0x72: {  	s0 =	simm.s32 @!p4 $0x8560;
	s1 =	simm.s32 @!p0 $0x1;
	s2 =	sadd.s32 @!p4 $0xF0, s26  }
0x73: {  	[tilespmem:s0], [sflag:$0x2] =	stream.indirect.gather @!p4 [spmem:s3], $0x80, s2, s13, $0xb8;
	[tilespmem:$0xAD60] =	vst v63  }
0x74: {  	_ =	swait.ge @!p0 [sflag:s1], $0x2800  }
0x75: {  	p3 =	sge.u32 s21, s7;
	p1 =	sgt.u32 s21, s8;
	[sflag:s1] =	ssyncset.done @!p0 $0x0  }
0x76: {  	s0 =	sadd.s32 $0x1400, s24;
	[sflag:s1] =	ssyncadd.s32 @!p0 $0xFFFFD800;
	s1 =	simm.s32 @!p3 $0x1  }
0x77: {  	s2 =	sadd.s32 $0x2, s21;
	p0 =	sge.u32 @p1 s21, s5;
	_ =	swait.ge @!p3 [sflag:s1], $0x2800  }
0x78: {  	p2 =	sge.u32 s2, s5;
	p0 =	por p0, !p1;
	[sflag:s1] =	ssyncset.done @!p3 $0x0  }
0x79: {  	s13 =	simm.s32 @!p0 $0xD60;
	[sflag:s1] =	ssyncadd.s32 @!p3 $0xFFFFD800;
	s1 =	simm.s32 @!p0 $0x0  }
0x7a: {  	[hbm4b:s0+s1] =	stream.linear.scatter @!p0 [tilespmem:s13], [sflag:$0x3], $0x2800, $0x38;
	[tilespmem:$0xAD60] =	vst v63  }
0x7b: {  	s14 =	simm.s32 @!p2 $0x2;
	s1 =	simm.s32 @!p1 $0xD60;
	s13 =	simm.s32 @!p1 $0x0  }
0x7c: {  	[hbm4b:s0+s13] =	stream.linear.scatter @!p1 [tilespmem:s1], [sflag:$0x3], $0x5000, $0x38;
	[tilespmem:$0xAD60] =	vst v63  }
0x7d: {  	_ =	swait.ge @!p2 [sflag:s14], $0x2800  }
0x7e: {  	p3 =	sge.u32 s2, s7;
	[sflag:s14] =	ssyncset.done @!p2 $0x0  }
0x7f: {  	s1 =	simm.s32 @!p3 $0x2;
	[sflag:s14] =	ssyncadd.s32 @!p2 $0xFFFFD800  }
0x80: {  	_ =	swait.ge @!p3 [sflag:s1], $0x2800  }
0x81: {  	[sflag:s1] =	ssyncset.done @!p3 $0x0  }
0x82: {  	s13 =	simm.s32 @!p0 $0x3;
	[sflag:s1] =	ssyncadd.s32 @!p3 $0xFFFFD800  }
0x83: {  	_ =	swait.ge @!p0 [sflag:s13], $0x2800  }
0x84: {  	s29 =	sadd.s32 $0x5, s21;
	p2 =	sle.u32 s2, s8;
	[sflag:s13] =	ssyncset.done @!p0 $0x0  }
0x85: {  	p3 =	sge.u32 @!p2 s2, s5;
	s2 =	simm.s32 @!p1 $0x3;
	[sflag:s13] =	ssyncadd.s32 @!p0 $0xFFFFD800  }
0x86: {  	p4 =	sge.u32 s29, s5;
	s14 =	simm.s32 @p2 $0x4;
	_ =	swait.ge @!p1 [sflag:s2], $0x5000  }
0x87: {  	s1 =	sadd.s32 $0x140, s22;
	p0 =	sge.u32 s23, s5;
	[sflag:s2] =	ssyncset.done @!p1 $0x0  }
0x88: {  	s15 =	simm.s32 @!p0 $0x50;
	s16 =	simm.s32 @!p0 $0xD60;
	[sflag:s2] =	ssyncadd.s32 @!p1 $0xFFFFB000  }
0x89: {  	[tilespmem:s16], [sflag:$0x1] =	stream.indirect.gather @!p0 [spmem:s3], $0x80, s1, s15, $0xb8;
	[tilespmem:$0xAD60] =	vst v63  }
0x8a: {  	s13 =	simm.s32 @!p4 $0x3560;
	s2 =	simm.s32 @!p4 $0x50;
	s15 =	sadd.s32 @!p4 $0x50, s1  }
0x8b: {  	[tilespmem:s13], [sflag:$0x1] =	stream.indirect.gather @!p4 [spmem:s3], $0x80, s15, s2, $0xb8;
	[tilespmem:$0xAD60] =	vst v63  }
0x8c: {  	s2 =	simm.s32 @p2 $0x0;
	s13 =	simm.s32 @p2 $0x5D60;
	s15 =	sadd.s32 @p2 $0xA00, s0  }
0x8d: {  	[hbm4b:s15+s2] =	stream.linear.scatter @p2 [tilespmem:s13], [sflag:$0x4], $0x5000, $0x38;
	[tilespmem:$0xAD60] =	vst v63  }
0x8e: {  	p0 =	por p3, p2;
	_ =	swait.ge @p2 [sflag:s14], $0x5000  }
0x8f: {  	s16 =	simm.s32 @!p0 $0x5D60;
	s0 =	sadd.s32 @!p0 $0xA00, s0;
	[sflag:s14] =	ssyncset.done @p2 $0x0  }
0x90: {  	s13 =	simm.s32 @!p0 $0x4;
	s15 =	simm.s32 @!p0 $0x0;
	[sflag:s14] =	ssyncadd.s32 @p2 $0xFFFFB000  }
0x91: {  	[hbm4b:s0+s15] =	stream.linear.scatter @!p0 [tilespmem:s16], [sflag:$0x4], $0x2800, $0x38;
	[tilespmem:$0xAD60] =	vst v63  }
0x92: {  	_ =	swait.ge @!p0 [sflag:s13], $0x2800  }
0x93: {  	s4 =	sadd.s32 $0x1, s4;
	s30 =	sadd.s32 $0x6, s21;
	[sflag:s13] =	ssyncset.done @!p0 $0x0  }
0x94: {  	p1 =	sge.u32 s30, s5;
	[sflag:s13] =	ssyncadd.s32 @!p0 $0xFFFFD800;
	p0 =	sne.s32 s4, s9  }
.Ltmp1:
0x95: {  	s31 =	sadd.s32 $0x7, s21;
	s2 =	simm.s32 @!p1 $0x50;
	(pc) =	sbr.rel @p0 .LBB2_1-.Ltmp1, $4  }
0x96: {  	p2 =	sge.u32 s31, s5;
	s14 =	simm.s32 @!p1 $0x5D60;
	s0 =	sadd.s32 @!p1 $0xA0, s1  }
0x97: {  	[tilespmem:s14], [sflag:$0x2] =	stream.indirect.gather @!p1 [spmem:s3], $0x80, s0, s2, $0xb8;
	[tilespmem:$0xAD60] =	vst v63  }
0x98: {  	s1 =	sadd.s32 @!p2 $0xF0, s1;
	s0 =	simm.s32 @!p2 $0x50;
	s2 =	simm.s32 @!p2 $0x8560  }
0x99: {  	[tilespmem:s2], [sflag:$0x2] =	stream.indirect.gather @!p2 [spmem:s3], $0x80, s1, s0, $0xb8;
	[tilespmem:$0xAD60] =	vst v63  }
0x9a: {  	_ =	sfence.sel $0x180000  }
0x9b: {  	[bflag:$0x0] =	sbarrier.arrive $0xFFFF  }
0x9c: {  	_ =	strace $0x90000047  }
0x9d: {  	s0 =	stileid.u32;
	[bflag:$0x2] =	sbarrier.arrive $0xFFFF  }
0x9e: {  	p0 =	sne.s32 s0, $0x0;
	s0 =	rddreg [dreg:$0x4]  }
0x9f: {  	s0 =	sadd.s32 @!p0 $0x100000, s0  }
0xa0: {  	[sflag:s0] =	ssyncadd.tile.s32 @!p0 $0x1;
	_ =	shalt  }
.Lfunc_end2:
_tile_overlayer_lowered:
.L_overlay_start_2:
0xa1: {  	(tag) =	ssettag $0x2  }
0xa2: {  	s0 =	rddreg [dreg:$0x0];
	s2 =	stileid.u32  }
0xa3: {  	s1 =	rddreg [dreg:$0x1];
	p0 =	sne.s32 s2, $0x0  }
0xa4: {  	s3 =	rddreg [dreg:$0x2];
	[bflag:$0x3] =	sbarrier.arrive $0xFFFF;
	s2 =	simm.s32 @!p0 $0x1C05  }
0xa5: {  	[timem:s3], [sflag:s2] =	dma.local @!p0 [hbm:s0], s1  }
0xa6: {  	s0 =	simm.s32 @!p0 $0x5  }
0xa7: {  	_ =	swait.ge @!p0 [sflag:s0], s1  }
0xa8: {  	s1 =	ssub.s32 @!p0 $0x0, s1;
	[sflag:s0] =	ssyncset.done @!p0 $0x0  }
0xa9: {  	[sflag:s0] =	ssyncadd.s32 @!p0 s1  }
0xaa: {  	[bflag:$0x3] =	sbarrier.arrive $0xFFFF  }
0xab: {  	_ =	shalt  }

</sc_bundles>
